<compile_context>
chip_gen: v7x
topology: tpu7x:2x2x1
jax: 0.10.2.dev20260603
libtpu: 0.0.44.dev20260713+nightly
codegen_flags: <defaults>
</compile_context>

<pallas_src>
import jax
import jax.numpy as jnp
from jax import lax
from jax.experimental import pallas as pl
from jax.experimental.pallas import tpu as pltpu
from jax.experimental.pallas import tpu_sc as plsc

N_ROWS = 4096
N_COLS = 1024
N_TOTAL = N_ROWS * N_COLS
CHUNK = 1024
N_CHUNKS = N_ROWS // CHUNK
NEG_LN_EPS = 2.3025850929940455
LN2 = 0.6931471805599453

NW = 32
ROWS_PER_TILE = N_ROWS // NW
RB = 16
NB = ROWS_PER_TILE // RB
VPB = RB * N_COLS // 16
UNROLL = 16
N_BINS = 16384
N_PAR = 4
BIN_SHIFT = 12


def _tc1_body(i_ref, x_ref, om_ref, w_ref, h_ref, a_ref, stats_ref):
    f32 = jnp.float32
    c = pl.program_id(0)

    om = om_ref[...].astype(f32)
    wh = jnp.dot(w_ref[...], h_ref[...], preferred_element_type=f32)
    a = (x_ref[0] - wh) * om
    a_ref[...] = a
    ab = jnp.abs(a)

    @pl.when(c == 0)
    def _():
        for j in range(8):
            stats_ref[j] = f32(0.0)

    stats_ref[0] = stats_ref[0] + jnp.sum(om)
    stats_ref[1] = stats_ref[1] + jnp.sum(ab)
    stats_ref[2] = stats_ref[2] + jnp.sum(ab * ab)


def _tc1(x, om, w, h, idx):
    return pl.pallas_call(
        _tc1_body,
        grid_spec=pltpu.PrefetchScalarGridSpec(
            num_scalar_prefetch=1,
            grid=(N_CHUNKS,),
            in_specs=[
                pl.BlockSpec((1, CHUNK, N_COLS),
                             lambda c, i_ref: (i_ref[0], c, 0)),
                pl.BlockSpec((CHUNK, N_COLS), lambda c, i_ref: (c, 0)),
                pl.BlockSpec((CHUNK, 64), lambda c, i_ref: (c, 0)),
                pl.BlockSpec((64, N_COLS), lambda c, i_ref: (0, 0)),
            ],
            out_specs=[
                pl.BlockSpec((CHUNK, N_COLS), lambda c, i_ref: (c, 0)),
                pl.BlockSpec(memory_space=pltpu.SMEM),
            ],
        ),
        out_shape=[
            jax.ShapeDtypeStruct((N_ROWS, N_COLS), jnp.float32),
            jax.ShapeDtypeStruct((8,), jnp.float32),
        ],
    )(idx, x, om, w, h)


def _sc_body(bits_hbm, lob_hbm, out_hbm, buf0, buf1, lobv, hist,
             sem0, sem1):
    i32 = jnp.int32
    f32 = jnp.float32
    wid = lax.axis_index("s") * 2 + lax.axis_index("c")
    base = wid * ROWS_PER_TILE

    zeros16 = jnp.zeros((16,), f32)

    @plsc.parallel_loop(0, N_PAR * N_BINS // 16, unroll=8)
    def _zero(k):
        hist[pl.ds(k * 16, 16)] = zeros16

    pltpu.sync_copy(lob_hbm, lobv)
    lo = plsc.load_gather(lobv, [jnp.zeros((16,), i32)])
    ones16 = jnp.ones((16,), f32)
    absmask = i32(0x7FFFFFFF)

    nlanes = N_COLS // 16

    def process(bref):
        @plsc.parallel_loop(0, VPB, unroll=UNROLL)
        def _hist(j):
            r = lax.div(j, jnp.int32(nlanes))
            cc = lax.rem(j, jnp.int32(nlanes)) * 16
            bits = bref[r, pl.ds(cc, 16)] & absmask
            d = lax.shift_right_arithmetic(bits - lo, BIN_SHIFT)
            idx = (jnp.clip(d, 0, N_BINS - 1)
                   + (j & jnp.int32(N_PAR - 1)) * N_BINS)
            plsc.addupdate_scatter(hist, [idx], ones16, mask=bits != 0)

    pltpu.async_copy(bits_hbm.at[pl.ds(base, RB)], buf0, sem0)
    pltpu.async_copy(bits_hbm.at[pl.ds(base + RB, RB)], buf1, sem1)

    def outer(g, _):
        b0 = 2 * g
        pltpu.make_async_copy(bits_hbm.at[pl.ds(0, RB)], buf0, sem0).wait()
        process(buf0)

        @pl.when(b0 + 2 < NB)
        def _():
            pltpu.async_copy(
                bits_hbm.at[pl.ds(base + (b0 + 2) * RB, RB)], buf0, sem0)

        pltpu.make_async_copy(bits_hbm.at[pl.ds(0, RB)], buf1, sem1).wait()
        process(buf1)

        @pl.when(b0 + 3 < NB)
        def _():
            pltpu.async_copy(
                bits_hbm.at[pl.ds(base + (b0 + 3) * RB, RB)], buf1, sem1)

        return 0

    lax.fori_loop(0, NB // 2, outer, 0)
    pltpu.sync_copy(hist, out_hbm.at[wid])


def _sc_hist(a_bits, lob):
    mesh = plsc.VectorSubcoreMesh(core_axis_name="c", subcore_axis_name="s",
                                  num_cores=2, num_subcores=16)
    return pl.kernel(
        _sc_body,
        out_type=jax.ShapeDtypeStruct((NW, N_PAR * N_BINS), jnp.float32),
        mesh=mesh,
        scratch_types=[
            pltpu.VMEM((RB, N_COLS), jnp.int32),
            pltpu.VMEM((RB, N_COLS), jnp.int32),
            pltpu.VMEM((16,), jnp.int32),
            pltpu.VMEM((N_PAR * N_BINS,), jnp.float32),
            pltpu.SemaphoreType.DMA,
            pltpu.SemaphoreType.DMA,
        ],
        compiler_params=pltpu.CompilerParams(needs_layout_passes=False),
    )(a_bits, lob)


def _tc2_body(h_ref, stats_ref, lob_ref, lam_ref, a_ref,
              aout_ref, lamout_ref, tcut_s):
    f32 = jnp.float32
    i32 = jnp.int32
    c = pl.program_id(0)

    @pl.when(c == 0)
    def _scalar_phase():
        _tc2_scalars(h_ref, stats_ref, lob_ref, lam_ref, lamout_ref, tcut_s)

    t = tcut_s[0]
    a = a_ref[...]
    aout_ref[...] = jnp.where(jnp.abs(a) < t, 0.0, a)


def _tc2_scalars(h_ref, stats_ref, lob_ref, lam_ref, lamout_ref, tcut_s):
    f32 = jnp.float32
    i32 = jnp.int32
    h2 = jnp.sum(h_ref[...], axis=0)

    rowsum = jnp.sum(h2, axis=1, keepdims=True)
    io0 = lax.broadcasted_iota(i32, (128, 128), 0)
    io1 = lax.broadcasted_iota(i32, (128, 128), 1)
    ltri = (io1 < io0).astype(f32)
    cumrow = jnp.dot(ltri, rowsum, preferred_element_type=f32)

    utri = ltri.T
    cumlane = jnp.dot(h2, utri, preferred_element_type=f32)

    excl = cumrow + cumlane
    incl = excl + h2

    cnt = stats_ref[0]
    s1 = stats_ref[1]
    s2 = stats_ref[2]
    zeros_skipped = f32(N_TOTAL) - jnp.sum(h2)
    miss = f32(N_TOTAL) - cnt
    mexcl = jnp.maximum(excl + zeros_skipped - miss, 0.0)
    mincl = jnp.maximum(incl + zeros_skipped - miss, 0.0)

    lob_s = lob_ref[0]
    bid = (lax.broadcasted_iota(i32, (128, 128), 0) * 128
           + lax.broadcasted_iota(i32, (128, 128), 1))
    bits_start = lob_s + bid * (1 << BIN_SHIFT)

    def val(bits):
        e = lax.shift_right_logical(bits, 23).astype(f32)
        mant = (bits & i32(0x7FFFFF)).astype(f32)
        return (1.0 + mant * f32(2.0 ** -23)) * jnp.exp((e - 127.0) * LN2)

    vs = val(bits_start)
    vm = val(bits_start + (1 << (BIN_SHIFT - 1)))
    ve = val(bits_start + (1 << BIN_SHIFT))

    pos25 = 0.25 * (cnt - 1.0)
    pos75 = f32(0.75) * (cnt - 1.0)
    lo25 = jnp.floor(pos25)
    lo75 = jnp.floor(pos75)
    ranks = (jnp.clip(lo25, 0.0, cnt - 1.0),
             jnp.clip(jnp.ceil(pos25), 0.0, cnt - 1.0),
             jnp.clip(lo75, 0.0, cnt - 1.0),
             jnp.clip(jnp.ceil(pos75), 0.0, cnt - 1.0))

    qv = []
    for j in range(4):
        k = ranks[j]
        cov = jnp.logical_and(mexcl <= k, mincl > k)
        qv.append(jnp.sum(jnp.where(cov, vm, 0.0)))

    hw25 = pos25 - lo25
    hw75 = pos75 - lo75
    q25 = qv[0] * (1.0 - hw25) + qv[1] * hw25
    q75 = qv[2] * (1.0 - hw75) + qv[3] * hw75
    iqr = q75 - q25

    mean = s1 / cnt
    varsum = s2 - 2.0 * mean * s1 + cnt * mean * mean
    n_std = jnp.sqrt(varsum / (cnt - 1.0))

    deta2 = (1.06 * jnp.minimum(n_std, iqr / 1.34)
             * jnp.exp(-0.2 * jnp.log(cnt)))
    thr = deta2 * NEG_LN_EPS

    occ = jnp.logical_and(h2 > 0.0, ve > thr)
    lam_val = jnp.min(jnp.where(occ, jnp.maximum(vs, thr), jnp.inf))
    lambda_new = jnp.minimum(lam_val * lam_val, lam_ref[0])
    lamout_ref[0] = lambda_new
    tcut_s[0] = jnp.sqrt(lambda_new)


def _tc2(a, hist_3d, stats, lob, lam):
    nh = NW * N_PAR
    return pl.pallas_call(
        _tc2_body,
        grid=(N_CHUNKS,),
        in_specs=[
            pl.BlockSpec((nh, 128, 128), lambda c: (0, 0, 0)),
            pl.BlockSpec(memory_space=pltpu.SMEM),
            pl.BlockSpec(memory_space=pltpu.SMEM),
            pl.BlockSpec(memory_space=pltpu.SMEM),
            pl.BlockSpec((CHUNK, N_COLS), lambda c: (c, 0)),
        ],
        out_specs=[
            pl.BlockSpec((CHUNK, N_COLS), lambda c: (c, 0)),
            pl.BlockSpec(memory_space=pltpu.SMEM),
        ],
        out_shape=[
            jax.ShapeDtypeStruct((N_ROWS, N_COLS), jnp.float32),
            jax.ShapeDtypeStruct((1,), jnp.float32),
        ],
        scratch_shapes=[pltpu.SMEM((1,), jnp.float32)],
    )(hist_3d, stats, lob, lam, a)


def kernel(X, Omega, W, H, lambda_a, i):
    idx = jnp.reshape(jnp.asarray(i, jnp.int32), (1,))
    lam = jnp.reshape(lambda_a.astype(jnp.float32), (1,))
    a, stats = _tc1(X, Omega, W, H, idx)
    mean = stats[1] / stats[0]
    lo_f = jnp.maximum(mean * jnp.float32(0.0625), jnp.float32(1e-37))
    lob_s = lax.bitcast_convert_type(lo_f, jnp.int32) & 0x7FFFFFFF
    lob = jnp.broadcast_to(lob_s, (16,))
    a_bits = lax.bitcast_convert_type(a, jnp.int32)
    hist = _sc_hist(a_bits, lob)
    a_out, lam_new = _tc2(a, hist.reshape(NW * N_PAR, 128, 128), stats,
                          lob, lam)
    return (a_out, lam_new[0])

# --- scband reference (transcript-rebuilt; emitter-appended) ---
"""Pipeline reference for scband-updating-a-layer-32074815766812 (READ-ONLY COPY).

The authoritative reference and input builder live on the scoring server;
editing this copy changes nothing except your own understanding.
"""

import jax, jax.numpy as jnp
import numpy as np

EPSILON = 0.1

def setup_inputs(seed: int = 0) -> dict:
    key = jax.random.key(seed)
    k1, k2, k3, k4 = jax.random.split(key, 4)
    X = jax.random.normal(k1, (4, 4096, 1024), dtype=jnp.float32)
    Omega = jax.random.randint(k2, (4096, 1024), 0, 2, dtype=jnp.int32)
    W = jax.random.normal(k3, (4096, 64), dtype=jnp.float32) * 0.1
    H = jax.random.normal(k4, (64, 1024), dtype=jnp.float32) * 0.1
    lambda_a = jnp.float32(1.0)
    return {"X": X, "Omega": Omega, "W": W, "H": H, "lambda_a": lambda_a, "i": 1}

def reference(X, Omega, W, H, lambda_a, i):
    Om = Omega.astype(jnp.float32)
    X_Omega = X[i] * Om
    A = (X_Omega - W @ H) * Om
    flat_mask = (Omega.reshape(-1) == 1)
    A_flat = A.reshape(-1)
    cnt = jnp.sum(flat_mask)
    cnt_f = cnt.astype(jnp.float32)
    abs_all = jnp.abs(A_flat)
    mean = jnp.sum(jnp.where(flat_mask, abs_all, 0.0)) / cnt_f
    sq = jnp.where(flat_mask, (abs_all - mean) ** 2, 0.0)
    n_std = jnp.sqrt(jnp.sum(sq) / (cnt_f - 1.0))
    n_sort = jnp.sort(jnp.where(flat_mask, abs_all, jnp.inf))

    def _q(qv):
        pos = jnp.float32(qv) * (cnt_f - 1.0)
        low = jnp.floor(pos)
        high = jnp.ceil(pos)
        hw = pos - low
        lw = 1.0 - hw
        li = jnp.clip(low, 0.0, cnt_f - 1.0).astype(jnp.int32)
        hi = jnp.clip(high, 0.0, cnt_f - 1.0).astype(jnp.int32)
        return n_sort[li] * lw + n_sort[hi] * hw

    IQR = _q(0.75) - _q(0.25)
    deta2 = 1.06 * jnp.minimum(n_std, IQR / 1.34) * (cnt_f ** (-0.2))
    w = jnp.exp(-(abs_all / deta2))
    anomalies_idx = flat_mask & (w < EPSILON)
    # faithful to: if anomalies nonempty, lambda_a = min(min(anomalies**2), lambda_a)
    lam_cand = jnp.min(jnp.where(anomalies_idx, abs_all ** 2, jnp.inf))
    lambda_new = jnp.minimum(lam_cand, lambda_a)
    A_flat = jnp.where(flat_mask & (abs_all < jnp.sqrt(lambda_new)), 0.0, A_flat)
    A = A_flat.reshape(A.shape)
    return (A, lambda_new)

if __name__ == "__main__":
    import jax
    _d = setup_inputs()
    print(jax.jit(kernel)(*tuple(_d.values())))

</pallas_src>

<mosaic_0001>
#map = affine_map<(d0, d1) -> (0, 0)>
#map1 = affine_map<(d0, d1) -> (0)>
module attributes {stable_mosaic.version = 14 : i64} {
  func.func @_sc_body(%arg0: i32, %arg1: i32, %arg2: memref<4096x1024xi32, #tpu.memory_space<hbm>>, %arg3: memref<16xi32, #tpu.memory_space<hbm>>, %arg4: memref<32x65536xf32, #tpu.memory_space<hbm>>, %arg5: memref<16x1024xi32, #tpu.memory_space<vmem>>, %arg6: memref<16x1024xi32, #tpu.memory_space<vmem>>, %arg7: memref<16xi32, #tpu.memory_space<vmem>>, %arg8: memref<65536xf32, #tpu.memory_space<vmem>>, %arg9: memref<!tpu.dma_semaphore, #tpu.memory_space<semaphore_mem>>, %arg10: memref<!tpu.dma_semaphore, #tpu.memory_space<semaphore_mem>>) attributes {dimension_semantics = [#tpu.dimension_semantics<core_parallel>, #tpu.dimension_semantics<subcore_parallel>], iteration_bounds = array<i64: 2, 16>, scalar_prefetch = 0 : i64, scratch_operands = 6 : i64, tpu.core_type = #tpu.core_type<sc_vector_subcore>, window_params = [{transform_indices = #map}, {transform_indices = #map1}, {transform_indices = #map}]} {
    %mul3A = arith.constant 2 : i32
    %mul3A_0 = arith.muli %arg1, %mul3A : i32
    %add3A = arith.addi %mul3A_0, %arg0 : i32
    %mul3A_1 = arith.constant 128 : i32
    %mul3A_2 = arith.muli %add3A, %mul3A_1 : i32
    %broadcast_in_dim3A = arith.constant 0.000000e+00 : f32
    %broadcast_in_dim3A_3 = vector.broadcast %broadcast_in_dim3A : f32 to vector<16xf32>
    %parallel_loop3A = arith.constant 0 : i32
    %parallel_loop3A_4 = arith.constant 4096 : i32
    %parallel_loop3A_5 = arith.constant 1 : i32
    scf.for %parallel_loop3A_26 = %parallel_loop3A to %parallel_loop3A_4 step %parallel_loop3A_5  : i32 {
      %parallel_loop3A_27 = arith.constant 16 : i32
      %parallel_loop3A_28 = arith.muli %parallel_loop3A_26, %parallel_loop3A_27 : i32
      %parallel_loop3A_29 = arith.index_cast %parallel_loop3A_28 : i32 to index
      %parallel_loop3A_30 = tpu.vector_load %arg8[%parallel_loop3A_29] {strides = array<i32>} : memref<65536xf32, #tpu.memory_space<vmem>>, vector<16xf32>,
      tpu.vector_store %arg8[%parallel_loop3A_29], %broadcast_in_dim3A_3 {strides = array<i32>} : memref<65536xf32, #tpu.memory_space<vmem>>, vector<16xf32>,
    } {sc.loop_unroll_factor = 8 : i64, sc.parallel_access}
    "tpu.region"() ({
      %run_scoped3A = tpu.sem_alloc : memref<!tpu.dma_semaphore, #tpu.memory_space<semaphore_mem>>
      tpu.enqueue_dma source(%arg3 : memref<16xi32, #tpu.memory_space<hbm>>) target(%arg7 : memref<16xi32, #tpu.memory_space<vmem>>) target_semaphore(%run_scoped3A : memref<!tpu.dma_semaphore, #tpu.memory_space<semaphore_mem>>)
      tpu.wait_dma2 semaphore(%run_scoped3A : memref<!tpu.dma_semaphore, #tpu.memory_space<semaphore_mem>>) src(%arg3 : memref<16xi32, #tpu.memory_space<hbm>>) dst(%arg7 : memref<16xi32, #tpu.memory_space<vmem>>)
      tpu.yield
    }) : () -> ()
    %broadcast_in_dim3A_6 = arith.constant 0 : i32
    %broadcast_in_dim3A_7 = vector.broadcast %broadcast_in_dim3A_6 : i32 to vector<16xi32>
    %gather3A = tpu.vector_load_idx %arg7[%broadcast_in_dim3A_7] : memref<16xi32, #tpu.memory_space<vmem>>[vector<16xi32>], vector<16xi32>,
    %broadcast_in_dim3A_8 = arith.constant 1.000000e+00 : f32
    %broadcast_in_dim3A_9 = vector.broadcast %broadcast_in_dim3A_8 : f32 to vector<16xf32>
    %dma_start3A = arith.constant 0 : i32
    %dma_start3A_10 = tpu.memref_slice %arg2[%mul3A_2, %dma_start3A] : memref<4096x1024xi32, #tpu.memory_space<hbm>> -> memref<16x1024xi32, #tpu.memory_space<hbm>>
    %dma_start3A_11 = arith.constant 0 : i32
    %dma_start3A_12 = tpu.memref_slice %arg2[%mul3A_2, %dma_start3A_11] : memref<4096x1024xi32, #tpu.memory_space<hbm>> -> memref<16x1024xi32, #tpu.memory_space<hbm>>
    tpu.enqueue_dma source(%dma_start3A_12 : memref<16x1024xi32, #tpu.memory_space<hbm>>) target(%arg5 : memref<16x1024xi32, #tpu.memory_space<vmem>>) target_semaphore(%arg9 : memref<!tpu.dma_semaphore, #tpu.memory_space<semaphore_mem>>)
    %add3A_13 = arith.constant 16 : i32
    %add3A_14 = arith.addi %mul3A_2, %add3A_13 : i32
    %dma_start3A_15 = arith.constant 0 : i32
    %dma_start3A_16 = tpu.memref_slice %arg2[%add3A_14, %dma_start3A_15] : memref<4096x1024xi32, #tpu.memory_space<hbm>> -> memref<16x1024xi32, #tpu.memory_space<hbm>>
    %dma_start3A_17 = arith.constant 0 : i32
    %dma_start3A_18 = tpu.memref_slice %arg2[%add3A_14, %dma_start3A_17] : memref<4096x1024xi32, #tpu.memory_space<hbm>> -> memref<16x1024xi32, #tpu.memory_space<hbm>>
    tpu.enqueue_dma source(%dma_start3A_18 : memref<16x1024xi32, #tpu.memory_space<hbm>>) target(%arg6 : memref<16x1024xi32, #tpu.memory_space<vmem>>) target_semaphore(%arg10 : memref<!tpu.dma_semaphore, #tpu.memory_space<semaphore_mem>>)
    %scan3A = arith.constant 2147483647 : i32
    %scan3A_19 = arith.constant 0 : i32
    %scan3A_20 = arith.constant 0 : i32
    %scan3A_21 = arith.constant 4 : i32
    %scan3A_22 = arith.addi %scan3A_20, %scan3A_21 : i32
    %scan3A_23 = arith.constant 1 : i32
    %scan3A_24 = scf.for %scan3A_26 = %scan3A_20 to %scan3A_22 step %scan3A_23 iter_args(%scan3A_27 = %scan3A_19) -> (i32)  : i32 {
      %mul3A_28 = arith.constant 2 : i32
      %mul3A_29 = arith.muli %mul3A_28, %scan3A_26 : i32
      %dma_wait3A = arith.constant 0 : i32
      %dma_wait3A_30 = arith.constant 0 : i32
      %dma_wait3A_31 = tpu.memref_slice %arg2[%dma_wait3A, %dma_wait3A_30] : memref<4096x1024xi32, #tpu.memory_space<hbm>> -> memref<16x1024xi32, #tpu.memory_space<hbm>>
      %dma_wait3A_32 = arith.constant 0 : i32
      %dma_wait3A_33 = arith.constant 0 : i32
      %dma_wait3A_34 = tpu.memref_slice %arg2[%dma_wait3A_32, %dma_wait3A_33] : memref<4096x1024xi32, #tpu.memory_space<hbm>> -> memref<16x1024xi32, #tpu.memory_space<hbm>>
      tpu.wait_dma2 semaphore(%arg9 : memref<!tpu.dma_semaphore, #tpu.memory_space<semaphore_mem>>) src(%dma_wait3A_34 : memref<16x1024xi32, #tpu.memory_space<hbm>>) dst(%arg5 : memref<16x1024xi32, #tpu.memory_space<vmem>>)
      %parallel_loop3A_35 = arith.constant 0 : i32
      %parallel_loop3A_36 = arith.constant 1024 : i32
      %parallel_loop3A_37 = arith.constant 1 : i32
      scf.for %parallel_loop3A_59 = %parallel_loop3A_35 to %parallel_loop3A_36 step %parallel_loop3A_37  : i32 {
        %parallel_loop3A_60 = arith.constant 64 : i32
        %parallel_loop3A_61 = arith.divsi %parallel_loop3A_59, %parallel_loop3A_60 : i32
        %parallel_loop3A_62 = arith.constant 64 : i32
        %parallel_loop3A_63 = arith.remsi %parallel_loop3A_59, %parallel_loop3A_62 : i32
        %parallel_loop3A_64 = arith.constant 16 : i32
        %parallel_loop3A_65 = arith.muli %parallel_loop3A_63, %parallel_loop3A_64 : i32
        %parallel_loop3A_66 = arith.index_cast %parallel_loop3A_61 : i32 to index
        %parallel_loop3A_67 = arith.index_cast %parallel_loop3A_65 : i32 to index
        %parallel_loop3A_68 = tpu.vector_load %arg5[%parallel_loop3A_66, %parallel_loop3A_67] {strides = array<i32>} : memref<16x1024xi32, #tpu.memory_space<vmem>>, vector<16xi32>,
        %parallel_loop3A_69 = vector.broadcast %scan3A : i32 to vector<16xi32>
        %parallel_loop3A_70 = arith.andi %parallel_loop3A_68, %parallel_loop3A_69 : vector<16xi32>
        %parallel_loop3A_71 = arith.subi %parallel_loop3A_70, %gather3A : vector<16xi32>
        %parallel_loop3A_72 = arith.constant 12 : i32
        %parallel_loop3A_73 = vector.broadcast %parallel_loop3A_72 : i32 to vector<16xi32>
        %parallel_loop3A_74 = arith.shrsi %parallel_loop3A_71, %parallel_loop3A_73 : vector<16xi32>
        %parallel_loop3A_75 = arith.constant 0 : i32
        %parallel_loop3A_76 = arith.constant 16383 : i32
        %parallel_loop3A_77 = vector.broadcast %parallel_loop3A_75 : i32 to vector<16xi32>
        %parallel_loop3A_78 = arith.maxsi %parallel_loop3A_77, %parallel_loop3A_74 : vector<16xi32>
        %parallel_loop3A_79 = vector.broadcast %parallel_loop3A_76 : i32 to vector<16xi32>
        %parallel_loop3A_80 = arith.minsi %parallel_loop3A_79, %parallel_loop3A_78 : vector<16xi32>
        %parallel_loop3A_81 = arith.constant 3 : i32
        %parallel_loop3A_82 = arith.andi %parallel_loop3A_59, %parallel_loop3A_81 : i32
        %parallel_loop3A_83 = arith.constant 16384 : i32
        %parallel_loop3A_84 = arith.muli %parallel_loop3A_82, %parallel_loop3A_83 : i32
        %parallel_loop3A_85 = vector.broadcast %parallel_loop3A_84 : i32 to vector<16xi32>
        %parallel_loop3A_86 = arith.addi %parallel_loop3A_80, %parallel_loop3A_85 : vector<16xi32>
        %parallel_loop3A_87 = arith.constant 0 : i32
        %parallel_loop3A_88 = vector.broadcast %parallel_loop3A_87 : i32 to vector<16xi32>
        %parallel_loop3A_89 = arith.cmpi ne, %parallel_loop3A_70, %parallel_loop3A_88 : vector<16xi32>
        tpu.vector_store_idx %arg8[%parallel_loop3A_86], %broadcast_in_dim3A_9 masked %parallel_loop3A_89 {add = true} : memref<65536xf32, #tpu.memory_space<vmem>>[vector<16xi32>], vector<16xf32>, vector<16xi1>
      } {sc.loop_unroll_factor = 16 : i64, sc.parallel_access}
      %add3A_38 = arith.constant 2 : i32
      %add3A_39 = arith.addi %mul3A_29, %add3A_38 : i32
      %lt3A = arith.constant 8 : i32
      %lt3A_40 = arith.cmpi slt, %add3A_39, %lt3A : i32
      %convert_element_type3A = arith.extui %lt3A_40 : i1 to i32
      %cond3A = arith.constant 0 : i32
      %cond3A_41 = arith.cmpi ne, %convert_element_type3A, %cond3A : i32
      scf.if %cond3A_41 {
        %add3A_59 = arith.constant 2 : i32
        %add3A_60 = arith.addi %mul3A_29, %add3A_59 : i32
        %mul3A_61 = arith.constant 16 : i32
        %mul3A_62 = arith.muli %add3A_60, %mul3A_61 : i32
        %add3A_63 = arith.addi %mul3A_2, %mul3A_62 : i32
        %dma_start3A_64 = arith.constant 0 : i32
        %dma_start3A_65 = tpu.memref_slice %arg2[%add3A_63, %dma_start3A_64] : memref<4096x1024xi32, #tpu.memory_space<hbm>> -> memref<16x1024xi32, #tpu.memory_space<hbm>>
        %dma_start3A_66 = arith.constant 0 : i32
        %dma_start3A_67 = tpu.memref_slice %arg2[%add3A_63, %dma_start3A_66] : memref<4096x1024xi32, #tpu.memory_space<hbm>> -> memref<16x1024xi32, #tpu.memory_space<hbm>>
        tpu.enqueue_dma source(%dma_start3A_67 : memref<16x1024xi32, #tpu.memory_space<hbm>>) target(%arg5 : memref<16x1024xi32, #tpu.memory_space<vmem>>) target_semaphore(%arg9 : memref<!tpu.dma_semaphore, #tpu.memory_space<semaphore_mem>>)
      } else {
      }
      %dma_wait3A_42 = arith.constant 0 : i32
      %dma_wait3A_43 = arith.constant 0 : i32
      %dma_wait3A_44 = tpu.memref_slice %arg2[%dma_wait3A_42, %dma_wait3A_43] : memref<4096x1024xi32, #tpu.memory_space<hbm>> -> memref<16x1024xi32, #tpu.memory_space<hbm>>
      %dma_wait3A_45 = arith.constant 0 : i32
      %dma_wait3A_46 = arith.constant 0 : i32
      %dma_wait3A_47 = tpu.memref_slice %arg2[%dma_wait3A_45, %dma_wait3A_46] : memref<4096x1024xi32, #tpu.memory_space<hbm>> -> memref<16x1024xi32, #tpu.memory_space<hbm>>
      tpu.wait_dma2 semaphore(%arg10 : memref<!tpu.dma_semaphore, #tpu.memory_space<semaphore_mem>>) src(%dma_wait3A_47 : memref<16x1024xi32, #tpu.memory_space<hbm>>) dst(%arg6 : memref<16x1024xi32, #tpu.memory_space<vmem>>)
      %parallel_loop3A_48 = arith.constant 0 : i32
      %parallel_loop3A_49 = arith.constant 1024 : i32
      %parallel_loop3A_50 = arith.constant 1 : i32
      scf.for %parallel_loop3A_59 = %parallel_loop3A_48 to %parallel_loop3A_49 step %parallel_loop3A_50  : i32 {
        %parallel_loop3A_60 = arith.constant 64 : i32
        %parallel_loop3A_61 = arith.divsi %parallel_loop3A_59, %parallel_loop3A_60 : i32
        %parallel_loop3A_62 = arith.constant 64 : i32
        %parallel_loop3A_63 = arith.remsi %parallel_loop3A_59, %parallel_loop3A_62 : i32
        %parallel_loop3A_64 = arith.constant 16 : i32
        %parallel_loop3A_65 = arith.muli %parallel_loop3A_63, %parallel_loop3A_64 : i32
        %parallel_loop3A_66 = arith.index_cast %parallel_loop3A_61 : i32 to index
        %parallel_loop3A_67 = arith.index_cast %parallel_loop3A_65 : i32 to index
        %parallel_loop3A_68 = tpu.vector_load %arg6[%parallel_loop3A_66, %parallel_loop3A_67] {strides = array<i32>} : memref<16x1024xi32, #tpu.memory_space<vmem>>, vector<16xi32>,
        %parallel_loop3A_69 = vector.broadcast %scan3A : i32 to vector<16xi32>
        %parallel_loop3A_70 = arith.andi %parallel_loop3A_68, %parallel_loop3A_69 : vector<16xi32>
        %parallel_loop3A_71 = arith.subi %parallel_loop3A_70, %gather3A : vector<16xi32>
        %parallel_loop3A_72 = arith.constant 12 : i32
        %parallel_loop3A_73 = vector.broadcast %parallel_loop3A_72 : i32 to vector<16xi32>
        %parallel_loop3A_74 = arith.shrsi %parallel_loop3A_71, %parallel_loop3A_73 : vector<16xi32>
        %parallel_loop3A_75 = arith.constant 0 : i32
        %parallel_loop3A_76 = arith.constant 16383 : i32
        %parallel_loop3A_77 = vector.broadcast %parallel_loop3A_75 : i32 to vector<16xi32>
        %parallel_loop3A_78 = arith.maxsi %parallel_loop3A_77, %parallel_loop3A_74 : vector<16xi32>
        %parallel_loop3A_79 = vector.broadcast %parallel_loop3A_76 : i32 to vector<16xi32>
        %parallel_loop3A_80 = arith.minsi %parallel_loop3A_79, %parallel_loop3A_78 : vector<16xi32>
        %parallel_loop3A_81 = arith.constant 3 : i32
        %parallel_loop3A_82 = arith.andi %parallel_loop3A_59, %parallel_loop3A_81 : i32
        %parallel_loop3A_83 = arith.constant 16384 : i32
        %parallel_loop3A_84 = arith.muli %parallel_loop3A_82, %parallel_loop3A_83 : i32
        %parallel_loop3A_85 = vector.broadcast %parallel_loop3A_84 : i32 to vector<16xi32>
        %parallel_loop3A_86 = arith.addi %parallel_loop3A_80, %parallel_loop3A_85 : vector<16xi32>
        %parallel_loop3A_87 = arith.constant 0 : i32
        %parallel_loop3A_88 = vector.broadcast %parallel_loop3A_87 : i32 to vector<16xi32>
        %parallel_loop3A_89 = arith.cmpi ne, %parallel_loop3A_70, %parallel_loop3A_88 : vector<16xi32>
        tpu.vector_store_idx %arg8[%parallel_loop3A_86], %broadcast_in_dim3A_9 masked %parallel_loop3A_89 {add = true} : memref<65536xf32, #tpu.memory_space<vmem>>[vector<16xi32>], vector<16xf32>, vector<16xi1>
      } {sc.loop_unroll_factor = 16 : i64, sc.parallel_access}
      %add3A_51 = arith.constant 3 : i32
      %add3A_52 = arith.addi %mul3A_29, %add3A_51 : i32
      %lt3A_53 = arith.constant 8 : i32
      %lt3A_54 = arith.cmpi slt, %add3A_52, %lt3A_53 : i32
      %convert_element_type3A_55 = arith.extui %lt3A_54 : i1 to i32
      %cond3A_56 = arith.constant 0 : i32
      %cond3A_57 = arith.cmpi ne, %convert_element_type3A_55, %cond3A_56 : i32
      scf.if %cond3A_57 {
        %add3A_59 = arith.constant 3 : i32
        %add3A_60 = arith.addi %mul3A_29, %add3A_59 : i32
        %mul3A_61 = arith.constant 16 : i32
        %mul3A_62 = arith.muli %add3A_60, %mul3A_61 : i32
        %add3A_63 = arith.addi %mul3A_2, %mul3A_62 : i32
        %dma_start3A_64 = arith.constant 0 : i32
        %dma_start3A_65 = tpu.memref_slice %arg2[%add3A_63, %dma_start3A_64] : memref<4096x1024xi32, #tpu.memory_space<hbm>> -> memref<16x1024xi32, #tpu.memory_space<hbm>>
        %dma_start3A_66 = arith.constant 0 : i32
        %dma_start3A_67 = tpu.memref_slice %arg2[%add3A_63, %dma_start3A_66] : memref<4096x1024xi32, #tpu.memory_space<hbm>> -> memref<16x1024xi32, #tpu.memory_space<hbm>>
        tpu.enqueue_dma source(%dma_start3A_67 : memref<16x1024xi32, #tpu.memory_space<hbm>>) target(%arg6 : memref<16x1024xi32, #tpu.memory_space<vmem>>) target_semaphore(%arg10 : memref<!tpu.dma_semaphore, #tpu.memory_space<semaphore_mem>>)
      } else {
      }
      %scan3A_58 = arith.constant 0 : i32
      scf.yield %scan3A_58 : i32
    }
    %scan3A_25 = arith.constant 4 : i32
    "tpu.region"() ({
      %run_scoped3A = tpu.sem_alloc : memref<!tpu.dma_semaphore, #tpu.memory_space<semaphore_mem>>
      %dma_start3A_26 = arith.constant 0 : i32
      %dma_start3A_27 = tpu.memref_slice %arg4[%add3A, %dma_start3A_26] : memref<32x65536xf32, #tpu.memory_space<hbm>> -> memref<1x65536xf32, #tpu.memory_space<hbm>>
      %dma_start3A_28 = tpu.memref_squeeze %dma_start3A_27 : memref<1x65536xf32, #tpu.memory_space<hbm>> -> memref<65536xf32, #tpu.memory_space<hbm>>
      %dma_start3A_29 = arith.constant 0 : i32
      %dma_start3A_30 = tpu.memref_slice %arg4[%add3A, %dma_start3A_29] : memref<32x65536xf32, #tpu.memory_space<hbm>> -> memref<1x65536xf32, #tpu.memory_space<hbm>>
      %dma_start3A_31 = tpu.memref_squeeze %dma_start3A_30 : memref<1x65536xf32, #tpu.memory_space<hbm>> -> memref<65536xf32, #tpu.memory_space<hbm>>
      tpu.enqueue_dma source(%arg8 : memref<65536xf32, #tpu.memory_space<vmem>>) target(%dma_start3A_31 : memref<65536xf32, #tpu.memory_space<hbm>>) target_semaphore(%run_scoped3A : memref<!tpu.dma_semaphore, #tpu.memory_space<semaphore_mem>>)
      %dma_wait3A = arith.constant 0 : i32
      %dma_wait3A_32 = tpu.memref_slice %arg4[%add3A, %dma_wait3A] : memref<32x65536xf32, #tpu.memory_space<hbm>> -> memref<1x65536xf32, #tpu.memory_space<hbm>>
      %dma_wait3A_33 = tpu.memref_squeeze %dma_wait3A_32 : memref<1x65536xf32, #tpu.memory_space<hbm>> -> memref<65536xf32, #tpu.memory_space<hbm>>
      %dma_wait3A_34 = arith.constant 0 : i32
      %dma_wait3A_35 = tpu.memref_slice %arg4[%add3A, %dma_wait3A_34] : memref<32x65536xf32, #tpu.memory_space<hbm>> -> memref<1x65536xf32, #tpu.memory_space<hbm>>
      %dma_wait3A_36 = tpu.memref_squeeze %dma_wait3A_35 : memref<1x65536xf32, #tpu.memory_space<hbm>> -> memref<65536xf32, #tpu.memory_space<hbm>>
      tpu.wait_dma2 semaphore(%run_scoped3A : memref<!tpu.dma_semaphore, #tpu.memory_space<semaphore_mem>>) src(%arg8 : memref<65536xf32, #tpu.memory_space<vmem>>) dst(%dma_wait3A_36 : memref<65536xf32, #tpu.memory_space<hbm>>)
      tpu.yield
    }) : () -> ()
    return
  }
}

module attributes {stable_mosaic.version = 14 : i64} {
  func.func @_tc1_body(%arg0: i32, %arg1: memref<1xi32, #tpu.memory_space<smem>>, %arg2: memref<1x1024x1024xf32, #tpu.memory_space<vmem>>, %arg3: memref<1024x1024xi32, #tpu.memory_space<vmem>>, %arg4: memref<1024x64xf32, #tpu.memory_space<vmem>>, %arg5: memref<64x1024xf32, #tpu.memory_space<vmem>>, %arg6: memref<1024x1024xf32, #tpu.memory_space<vmem>>, %arg7: memref<8xf32, #tpu.memory_space<smem>>) attributes {dimension_semantics = [#tpu.dimension_semantics<arbitrary>], iteration_bounds = array<i64: 4>, scalar_prefetch = 1 : i64, scratch_operands = 0 : i64, tpu.core_type = #tpu.core_type<tc>, window_params = [{transform_indices = @transform_0, window_bounds = array<i64: 1, 1024, 1024>}, {transform_indices = @transform_1, window_bounds = array<i64: 1024, 1024>}, {transform_indices = @transform_2, window_bounds = array<i64: 1024, 64>}, {pipeline_mode = #tpu.pipeline_mode<synchronous>, transform_indices = @transform_3, window_bounds = array<i64: 64, 1024>}, {transform_indices = @transform_4, window_bounds = array<i64: 1024, 1024>}, {transform_indices = @transform_5, window_bounds = array<i64: 8>}]} {
    %get3A = arith.constant 0 : index
    %get3A_0 = arith.constant 0 : index
    %get3A_1 = vector.load %arg3[%get3A, %get3A_0] : memref<1024x1024xi32, #tpu.memory_space<vmem>>, vector<1024x1024xi32>
    %convert_element_type3A = arith.sitofp %get3A_1 : vector<1024x1024xi32> to vector<1024x1024xf32>
    %get3A_2 = arith.constant 0 : index
    %get3A_3 = arith.constant 0 : index
    %get3A_4 = vector.load %arg4[%get3A_2, %get3A_3] : memref<1024x64xf32, #tpu.memory_space<vmem>>, vector<1024x64xf32>
    %get3A_5 = arith.constant 0 : index
    %get3A_6 = arith.constant 0 : index
    %get3A_7 = vector.load %arg5[%get3A_5, %get3A_6] : memref<64x1024xf32, #tpu.memory_space<vmem>>, vector<64x1024xf32>
    %dot_general3A = arith.constant dense<0.000000e+00> : vector<1024x1024xf32>
    %dot_general3A_8 = tpu.matmul %get3A_4, %get3A_7, %dot_general3A {dimension_numbers = #tpu.dot_dimension_numbers<[1], [0], [0], [1], [0, 0, 1, 1], [], []>, transpose_lhs_hint = false} : vector<1024x64xf32>, vector<64x1024xf32>, vector<1024x1024xf32> -> vector<1024x1024xf32>
    %get3A_9 = arith.constant 0 : index
    %get3A_10 = arith.constant 0 : index
    %get3A_11 = arith.constant 0 : index
    %get3A_12 = vector.load %arg2[%get3A_9, %get3A_10, %get3A_11] : memref<1x1024x1024xf32, #tpu.memory_space<vmem>>, vector<1x1024x1024xf32>
    %get3A_13 = vector.shape_cast %get3A_12 : vector<1x1024x1024xf32> to vector<1024x1024xf32>
    %sub3A = arith.subf %get3A_13, %dot_general3A_8 : vector<1024x1024xf32>
    %mul3A = arith.mulf %sub3A, %convert_element_type3A : vector<1024x1024xf32>
    %swap3A = arith.constant 0 : index
    %swap3A_14 = arith.constant 0 : index
    %swap3A_15 = vector.load %arg6[%swap3A, %swap3A_14] : memref<1024x1024xf32, #tpu.memory_space<vmem>>, vector<1024x1024xf32>
    tpu.vector_store %arg6[%swap3A, %swap3A_14], %mul3A {strides = array<i32>} : memref<1024x1024xf32, #tpu.memory_space<vmem>>, vector<1024x1024xf32>,
    %abs3A = math.absf %mul3A : vector<1024x1024xf32>
    %eq3A = arith.constant 0 : i32
    %eq3A_16 = arith.cmpi eq, %arg0, %eq3A : i32
    %convert_element_type3A_17 = arith.extui %eq3A_16 : i1 to i32
    %cond3A = arith.constant 0 : i32
    %cond3A_18 = arith.cmpi ne, %convert_element_type3A_17, %cond3A : i32
    scf.if %cond3A_18 {
      %swap3A_48 = arith.constant 0.000000e+00 : f32
      %swap3A_49 = arith.constant 0 : index
      %swap3A_50 = memref.load %arg7[%swap3A_49] : memref<8xf32, #tpu.memory_space<smem>>
      memref.store %swap3A_48, %arg7[%swap3A_49] : memref<8xf32, #tpu.memory_space<smem>>
      %swap3A_51 = arith.constant 0.000000e+00 : f32
      %swap3A_52 = arith.constant 1 : index
      %swap3A_53 = memref.load %arg7[%swap3A_52] : memref<8xf32, #tpu.memory_space<smem>>
      memref.store %swap3A_51, %arg7[%swap3A_52] : memref<8xf32, #tpu.memory_space<smem>>
      %swap3A_54 = arith.constant 0.000000e+00 : f32
      %swap3A_55 = arith.constant 2 : index
      %swap3A_56 = memref.load %arg7[%swap3A_55] : memref<8xf32, #tpu.memory_space<smem>>
      memref.store %swap3A_54, %arg7[%swap3A_55] : memref<8xf32, #tpu.memory_space<smem>>
      %swap3A_57 = arith.constant 0.000000e+00 : f32
      %swap3A_58 = arith.constant 3 : index
      %swap3A_59 = memref.load %arg7[%swap3A_58] : memref<8xf32, #tpu.memory_space<smem>>
      memref.store %swap3A_57, %arg7[%swap3A_58] : memref<8xf32, #tpu.memory_space<smem>>
      %swap3A_60 = arith.constant 0.000000e+00 : f32
      %swap3A_61 = arith.constant 4 : index
      %swap3A_62 = memref.load %arg7[%swap3A_61] : memref<8xf32, #tpu.memory_space<smem>>
      memref.store %swap3A_60, %arg7[%swap3A_61] : memref<8xf32, #tpu.memory_space<smem>>
      %swap3A_63 = arith.constant 0.000000e+00 : f32
      %swap3A_64 = arith.constant 5 : index
      %swap3A_65 = memref.load %arg7[%swap3A_64] : memref<8xf32, #tpu.memory_space<smem>>
      memref.store %swap3A_63, %arg7[%swap3A_64] : memref<8xf32, #tpu.memory_space<smem>>
      %swap3A_66 = arith.constant 0.000000e+00 : f32
      %swap3A_67 = arith.constant 6 : index
      %swap3A_68 = memref.load %arg7[%swap3A_67] : memref<8xf32, #tpu.memory_space<smem>>
      memref.store %swap3A_66, %arg7[%swap3A_67] : memref<8xf32, #tpu.memory_space<smem>>
      %swap3A_69 = arith.constant 0.000000e+00 : f32
      %swap3A_70 = arith.constant 7 : index
      %swap3A_71 = memref.load %arg7[%swap3A_70] : memref<8xf32, #tpu.memory_space<smem>>
      memref.store %swap3A_69, %arg7[%swap3A_70] : memref<8xf32, #tpu.memory_space<smem>>
    } else {
    }
    %get3A_19 = arith.constant 0 : index
    %get3A_20 = memref.load %arg7[%get3A_19] : memref<8xf32, #tpu.memory_space<smem>>
    %reduce_sum3A = vector.shape_cast %convert_element_type3A : vector<1024x1024xf32> to vector<1x1024x1024xf32>
    %reduce_sum3A_21 = arith.constant dense<0.000000e+00> : vector<1xf32>
    %reduce_sum3A_22 = vector.multi_reduction <add>, %reduce_sum3A, %reduce_sum3A_21 [1, 2] : vector<1x1024x1024xf32> to vector<1xf32>
    %reduce_sum3A_23 = vector.shape_cast %reduce_sum3A_22 : vector<1xf32> to vector<1x1x1xf32>
    %reduce_sum3A_24 = vector.extract %reduce_sum3A_23[0, 0, 0] : f32 from vector<1x1x1xf32>
    %add3A = arith.addf %get3A_20, %reduce_sum3A_24 : f32
    %swap3A_25 = arith.constant 0 : index
    %swap3A_26 = memref.load %arg7[%swap3A_25] : memref<8xf32, #tpu.memory_space<smem>>
    memref.store %add3A, %arg7[%swap3A_25] : memref<8xf32, #tpu.memory_space<smem>>
    %get3A_27 = arith.constant 1 : index
    %get3A_28 = memref.load %arg7[%get3A_27] : memref<8xf32, #tpu.memory_space<smem>>
    %reduce_sum3A_29 = vector.shape_cast %abs3A : vector<1024x1024xf32> to vector<1x1024x1024xf32>
    %reduce_sum3A_30 = arith.constant dense<0.000000e+00> : vector<1xf32>
    %reduce_sum3A_31 = vector.multi_reduction <add>, %reduce_sum3A_29, %reduce_sum3A_30 [1, 2] : vector<1x1024x1024xf32> to vector<1xf32>
    %reduce_sum3A_32 = vector.shape_cast %reduce_sum3A_31 : vector<1xf32> to vector<1x1x1xf32>
    %reduce_sum3A_33 = vector.extract %reduce_sum3A_32[0, 0, 0] : f32 from vector<1x1x1xf32>
    %add3A_34 = arith.addf %get3A_28, %reduce_sum3A_33 : f32
    %swap3A_35 = arith.constant 1 : index
    %swap3A_36 = memref.load %arg7[%swap3A_35] : memref<8xf32, #tpu.memory_space<smem>>
    memref.store %add3A_34, %arg7[%swap3A_35] : memref<8xf32, #tpu.memory_space<smem>>
    %get3A_37 = arith.constant 2 : index
    %get3A_38 = memref.load %arg7[%get3A_37] : memref<8xf32, #tpu.memory_space<smem>>
    %mul3A_39 = arith.mulf %abs3A, %abs3A : vector<1024x1024xf32>
    %reduce_sum3A_40 = vector.shape_cast %mul3A_39 : vector<1024x1024xf32> to vector<1x1024x1024xf32>
    %reduce_sum3A_41 = arith.constant dense<0.000000e+00> : vector<1xf32>
    %reduce_sum3A_42 = vector.multi_reduction <add>, %reduce_sum3A_40, %reduce_sum3A_41 [1, 2] : vector<1x1024x1024xf32> to vector<1xf32>
    %reduce_sum3A_43 = vector.shape_cast %reduce_sum3A_42 : vector<1xf32> to vector<1x1x1xf32>
    %reduce_sum3A_44 = vector.extract %reduce_sum3A_43[0, 0, 0] : f32 from vector<1x1x1xf32>
    %add3A_45 = arith.addf %get3A_38, %reduce_sum3A_44 : f32
    %swap3A_46 = arith.constant 2 : index
    %swap3A_47 = memref.load %arg7[%swap3A_46] : memref<8xf32, #tpu.memory_space<smem>>
    memref.store %add3A_45, %arg7[%swap3A_46] : memref<8xf32, #tpu.memory_space<smem>>
    return
  }
  func.func @transform_0(%arg0: i32, %arg1: memref<1xi32, #tpu.memory_space<smem>>) -> (i32, i32, i32) {
    %get3A = arith.constant 0 : index
    %get3A_0 = memref.load %arg1[%get3A] : memref<1xi32, #tpu.memory_space<smem>>
    %c0_i32 = arith.constant 0 : i32
    %c0_i32_1 = arith.constant 0 : i32
    return %get3A_0, %arg0, %c0_i32 : i32, i32, i32
  }
  func.func @transform_1(%arg0: i32, %arg1: memref<1xi32, #tpu.memory_space<smem>>) -> (i32, i32) {
    %c0_i32 = arith.constant 0 : i32
    %c0_i32_0 = arith.constant 0 : i32
    return %arg0, %c0_i32 : i32, i32
  }
  func.func @transform_2(%arg0: i32, %arg1: memref<1xi32, #tpu.memory_space<smem>>) -> (i32, i32) {
    %c0_i32 = arith.constant 0 : i32
    %c0_i32_0 = arith.constant 0 : i32
    return %arg0, %c0_i32 : i32, i32
  }
  func.func @transform_3(%arg0: i32, %arg1: memref<1xi32, #tpu.memory_space<smem>>) -> (i32, i32) {
    %c0_i32 = arith.constant 0 : i32
    %c0_i32_0 = arith.constant 0 : i32
    %c0_i32_1 = arith.constant 0 : i32
    return %c0_i32, %c0_i32_0 : i32, i32
  }
  func.func @transform_4(%arg0: i32, %arg1: memref<1xi32, #tpu.memory_space<smem>>) -> (i32, i32) {
    %c0_i32 = arith.constant 0 : i32
    %c0_i32_0 = arith.constant 0 : i32
    return %arg0, %c0_i32 : i32, i32
  }
  func.func @transform_5(%arg0: i32, %arg1: memref<1xi32, #tpu.memory_space<smem>>) -> i32 {
    %c0_i32 = arith.constant 0 : i32
    %c0_i32_0 = arith.constant 0 : i32
    return %c0_i32 : i32
  }
}

module attributes {stable_mosaic.version = 14 : i64} {
  func.func @_tc2_body(%arg0: i32, %arg1: memref<128x128x128xf32, #tpu.memory_space<vmem>>, %arg2: memref<8xf32, #tpu.memory_space<smem>>, %arg3: memref<16xi32, #tpu.memory_space<smem>>, %arg4: memref<1xf32, #tpu.memory_space<smem>>, %arg5: memref<1024x1024xf32, #tpu.memory_space<vmem>>, %arg6: memref<1024x1024xf32, #tpu.memory_space<vmem>>, %arg7: memref<1xf32, #tpu.memory_space<smem>>, %arg8: memref<1xf32, #tpu.memory_space<smem>>) attributes {dimension_semantics = [#tpu.dimension_semantics<arbitrary>], iteration_bounds = array<i64: 4>, scalar_prefetch = 0 : i64, scratch_operands = 1 : i64, tpu.core_type = #tpu.core_type<tc>, window_params = [{pipeline_mode = #tpu.pipeline_mode<synchronous>, transform_indices = @transform_0, window_bounds = array<i64: 128, 128, 128>}, {transform_indices = @transform_1, window_bounds = array<i64: 8>}, {transform_indices = @transform_2, window_bounds = array<i64: 16>}, {transform_indices = @transform_3, window_bounds = array<i64: 1>}, {transform_indices = @transform_4, window_bounds = array<i64: 1024, 1024>}, {transform_indices = @transform_5, window_bounds = array<i64: 1024, 1024>}, {transform_indices = @transform_6, window_bounds = array<i64: 1>}]} {
    %eq3A = arith.constant 0 : i32
    %eq3A_0 = arith.cmpi eq, %arg0, %eq3A : i32
    %convert_element_type3A = arith.extui %eq3A_0 : i1 to i32
    %cond3A = arith.constant 0 : i32
    %cond3A_1 = arith.cmpi ne, %convert_element_type3A, %cond3A : i32
    scf.if %cond3A_1 {
      %get3A_9 = arith.constant 0 : index
      %get3A_10 = arith.constant 0 : index
      %get3A_11 = arith.constant 0 : index
      %get3A_12 = vector.load %arg1[%get3A_9, %get3A_10, %get3A_11] : memref<128x128x128xf32, #tpu.memory_space<vmem>>, vector<128x128x128xf32>
      %reduce_sum3A = arith.constant dense<0.000000e+00> : vector<128x128xf32>
      %reduce_sum3A_13 = vector.multi_reduction <add>, %get3A_12, %reduce_sum3A [0] : vector<128x128x128xf32> to vector<128x128xf32>
      %reduce_sum3A_14 = arith.constant dense<0.000000e+00> : vector<128xf32>
      %reduce_sum3A_15 = vector.multi_reduction <add>, %reduce_sum3A_13, %reduce_sum3A_14 [1] : vector<128x128xf32> to vector<128xf32>
      %broadcast_in_dim3A_16 = vector.shape_cast %reduce_sum3A_15 : vector<128xf32> to vector<128x1xf32>
      %iota3A = tpu.iota {dimensions = array<i32: 0>} : vector<128x128xi32>
      %iota3A_17 = tpu.iota {dimensions = array<i32: 1>} : vector<128x128xi32>
      %lt3A_18 = arith.cmpi slt, %iota3A_17, %iota3A : vector<128x128xi32>
      %convert_element_type3A_19 = arith.extui %lt3A_18 : vector<128x128xi1> to vector<128x128xi32>
      %convert_element_type3A_20 = arith.sitofp %convert_element_type3A_19 : vector<128x128xi32> to vector<128x128xf32>
      %dot_general3A = arith.constant dense<0.000000e+00> : vector<128x1xf32>
      %dot_general3A_21 = tpu.matmul %convert_element_type3A_20, %broadcast_in_dim3A_16, %dot_general3A {dimension_numbers = #tpu.dot_dimension_numbers<[1], [0], [0], [1], [0, 0, 1, 1], [], []>, transpose_lhs_hint = false} : vector<128x128xf32>, vector<128x1xf32>, vector<128x1xf32> -> vector<128x1xf32>
      %transpose3A = tpu.transpose %convert_element_type3A_20, [1, 0] : vector<128x128xf32> -> vector<128x128xf32>
      %dot_general3A_22 = arith.constant dense<0.000000e+00> : vector<128x128xf32>
      %dot_general3A_23 = tpu.matmul %reduce_sum3A_13, %transpose3A, %dot_general3A_22 {dimension_numbers = #tpu.dot_dimension_numbers<[1], [0], [0], [1], [0, 0, 1, 1], [], []>, transpose_lhs_hint = false} : vector<128x128xf32>, vector<128x128xf32>, vector<128x128xf32> -> vector<128x128xf32>
      %add3A = vector.broadcast %dot_general3A_21 : vector<128x1xf32> to vector<128x128xf32>
      %add3A_24 = arith.addf %add3A, %dot_general3A_23 : vector<128x128xf32>
      %add3A_25 = arith.addf %add3A_24, %reduce_sum3A_13 : vector<128x128xf32>
      %get3A_26 = arith.constant 0 : index
      %get3A_27 = memref.load %arg2[%get3A_26] : memref<8xf32, #tpu.memory_space<smem>>
      %get3A_28 = arith.constant 1 : index
      %get3A_29 = memref.load %arg2[%get3A_28] : memref<8xf32, #tpu.memory_space<smem>>
      %get3A_30 = arith.constant 2 : index
      %get3A_31 = memref.load %arg2[%get3A_30] : memref<8xf32, #tpu.memory_space<smem>>
      %reduce_sum3A_32 = vector.shape_cast %reduce_sum3A_13 : vector<128x128xf32> to vector<1x128x128xf32>
      %reduce_sum3A_33 = arith.constant dense<0.000000e+00> : vector<1xf32>
      %reduce_sum3A_34 = vector.multi_reduction <add>, %reduce_sum3A_32, %reduce_sum3A_33 [1, 2] : vector<1x128x128xf32> to vector<1xf32>
      %reduce_sum3A_35 = vector.shape_cast %reduce_sum3A_34 : vector<1xf32> to vector<1x1x1xf32>
      %reduce_sum3A_36 = vector.extract %reduce_sum3A_35[0, 0, 0] : f32 from vector<1x1x1xf32>
      %sub3A = arith.constant 0x4A800000 : f32
      %sub3A_37 = arith.subf %sub3A, %reduce_sum3A_36 : f32
      %sub3A_38 = arith.constant 0x4A800000 : f32
      %sub3A_39 = arith.subf %sub3A_38, %get3A_27 : f32
      %add3A_40 = vector.broadcast %sub3A_37 : f32 to vector<128x128xf32>
      %add3A_41 = arith.addf %add3A_24, %add3A_40 : vector<128x128xf32>
      %sub3A_42 = vector.broadcast %sub3A_39 : f32 to vector<128x128xf32>
      %sub3A_43 = arith.subf %add3A_41, %sub3A_42 : vector<128x128xf32>
      %max3A = arith.constant 0.000000e+00 : f32
      %max3A_44 = vector.broadcast %max3A : f32 to vector<128x128xf32>
      %max3A_45 = arith.maximumf %sub3A_43, %max3A_44 : vector<128x128xf32>
      %add3A_46 = vector.broadcast %sub3A_37 : f32 to vector<128x128xf32>
      %add3A_47 = arith.addf %add3A_25, %add3A_46 : vector<128x128xf32>
      %sub3A_48 = vector.broadcast %sub3A_39 : f32 to vector<128x128xf32>
      %sub3A_49 = arith.subf %add3A_47, %sub3A_48 : vector<128x128xf32>
      %max3A_50 = arith.constant 0.000000e+00 : f32
      %max3A_51 = vector.broadcast %max3A_50 : f32 to vector<128x128xf32>
      %max3A_52 = arith.maximumf %sub3A_49, %max3A_51 : vector<128x128xf32>
      %get3A_53 = arith.constant 0 : index
      %get3A_54 = memref.load %arg3[%get3A_53] : memref<16xi32, #tpu.memory_space<smem>>
      %iota3A_55 = tpu.iota {dimensions = array<i32: 0>} : vector<128x128xi32>
      %mul3A = arith.constant 128 : i32
      %mul3A_56 = vector.broadcast %mul3A : i32 to vector<128x128xi32>
      %mul3A_57 = arith.muli %iota3A_55, %mul3A_56 : vector<128x128xi32>
      %iota3A_58 = tpu.iota {dimensions = array<i32: 1>} : vector<128x128xi32>
      %add3A_59 = arith.addi %mul3A_57, %iota3A_58 : vector<128x128xi32>
      %mul3A_60 = arith.constant 4096 : i32
      %mul3A_61 = vector.broadcast %mul3A_60 : i32 to vector<128x128xi32>
      %mul3A_62 = arith.muli %add3A_59, %mul3A_61 : vector<128x128xi32>
      %add3A_63 = vector.broadcast %get3A_54 : i32 to vector<128x128xi32>
      %add3A_64 = arith.addi %add3A_63, %mul3A_62 : vector<128x128xi32>
      %shift_right_logical3A = arith.constant 23 : i32
      %shift_right_logical3A_65 = vector.broadcast %shift_right_logical3A : i32 to vector<128x128xi32>
      %shift_right_logical3A_66 = arith.shrui %add3A_64, %shift_right_logical3A_65 : vector<128x128xi32>
      %convert_element_type3A_67 = arith.sitofp %shift_right_logical3A_66 : vector<128x128xi32> to vector<128x128xf32>
      %and3A = arith.constant 8388607 : i32
      %and3A_68 = vector.broadcast %and3A : i32 to vector<128x128xi32>
      %and3A_69 = arith.andi %add3A_64, %and3A_68 : vector<128x128xi32>
      %convert_element_type3A_70 = arith.sitofp %and3A_69 : vector<128x128xi32> to vector<128x128xf32>
      %mul3A_71 = arith.constant 1.1920929E-7 : f32
      %mul3A_72 = vector.broadcast %mul3A_71 : f32 to vector<128x128xf32>
      %mul3A_73 = arith.mulf %convert_element_type3A_70, %mul3A_72 : vector<128x128xf32>
      %add3A_74 = arith.constant 1.000000e+00 : f32
      %add3A_75 = vector.broadcast %add3A_74 : f32 to vector<128x128xf32>
      %add3A_76 = arith.addf %add3A_75, %mul3A_73 : vector<128x128xf32>
      %sub3A_77 = arith.constant 1.270000e+02 : f32
      %sub3A_78 = vector.broadcast %sub3A_77 : f32 to vector<128x128xf32>
      %sub3A_79 = arith.subf %convert_element_type3A_67, %sub3A_78 : vector<128x128xf32>
      %mul3A_80 = arith.constant 0.693147182 : f32
      %mul3A_81 = vector.broadcast %mul3A_80 : f32 to vector<128x128xf32>
      %mul3A_82 = arith.mulf %sub3A_79, %mul3A_81 : vector<128x128xf32>
      %exp3A = math.exp %mul3A_82 : vector<128x128xf32>
      %mul3A_83 = arith.mulf %add3A_76, %exp3A : vector<128x128xf32>
      %add3A_84 = arith.constant 2048 : i32
      %add3A_85 = vector.broadcast %add3A_84 : i32 to vector<128x128xi32>
      %add3A_86 = arith.addi %add3A_64, %add3A_85 : vector<128x128xi32>
      %shift_right_logical3A_87 = arith.constant 23 : i32
      %shift_right_logical3A_88 = vector.broadcast %shift_right_logical3A_87 : i32 to vector<128x128xi32>
      %shift_right_logical3A_89 = arith.shrui %add3A_86, %shift_right_logical3A_88 : vector<128x128xi32>
      %convert_element_type3A_90 = arith.sitofp %shift_right_logical3A_89 : vector<128x128xi32> to vector<128x128xf32>
      %and3A_91 = arith.constant 8388607 : i32
      %and3A_92 = vector.broadcast %and3A_91 : i32 to vector<128x128xi32>
      %and3A_93 = arith.andi %add3A_86, %and3A_92 : vector<128x128xi32>
      %convert_element_type3A_94 = arith.sitofp %and3A_93 : vector<128x128xi32> to vector<128x128xf32>
      %mul3A_95 = arith.constant 1.1920929E-7 : f32
      %mul3A_96 = vector.broadcast %mul3A_95 : f32 to vector<128x128xf32>
      %mul3A_97 = arith.mulf %convert_element_type3A_94, %mul3A_96 : vector<128x128xf32>
      %add3A_98 = arith.constant 1.000000e+00 : f32
      %add3A_99 = vector.broadcast %add3A_98 : f32 to vector<128x128xf32>
      %add3A_100 = arith.addf %add3A_99, %mul3A_97 : vector<128x128xf32>
      %sub3A_101 = arith.constant 1.270000e+02 : f32
      %sub3A_102 = vector.broadcast %sub3A_101 : f32 to vector<128x128xf32>
      %sub3A_103 = arith.subf %convert_element_type3A_90, %sub3A_102 : vector<128x128xf32>
      %mul3A_104 = arith.constant 0.693147182 : f32
      %mul3A_105 = vector.broadcast %mul3A_104 : f32 to vector<128x128xf32>
      %mul3A_106 = arith.mulf %sub3A_103, %mul3A_105 : vector<128x128xf32>
      %exp3A_107 = math.exp %mul3A_106 : vector<128x128xf32>
      %mul3A_108 = arith.mulf %add3A_100, %exp3A_107 : vector<128x128xf32>
      %add3A_109 = arith.constant 4096 : i32
      %add3A_110 = vector.broadcast %add3A_109 : i32 to vector<128x128xi32>
      %add3A_111 = arith.addi %add3A_64, %add3A_110 : vector<128x128xi32>
      %shift_right_logical3A_112 = arith.constant 23 : i32
      %shift_right_logical3A_113 = vector.broadcast %shift_right_logical3A_112 : i32 to vector<128x128xi32>
      %shift_right_logical3A_114 = arith.shrui %add3A_111, %shift_right_logical3A_113 : vector<128x128xi32>
      %convert_element_type3A_115 = arith.sitofp %shift_right_logical3A_114 : vector<128x128xi32> to vector<128x128xf32>
      %and3A_116 = arith.constant 8388607 : i32
      %and3A_117 = vector.broadcast %and3A_116 : i32 to vector<128x128xi32>
      %and3A_118 = arith.andi %add3A_111, %and3A_117 : vector<128x128xi32>
      %convert_element_type3A_119 = arith.sitofp %and3A_118 : vector<128x128xi32> to vector<128x128xf32>
      %mul3A_120 = arith.constant 1.1920929E-7 : f32
      %mul3A_121 = vector.broadcast %mul3A_120 : f32 to vector<128x128xf32>
      %mul3A_122 = arith.mulf %convert_element_type3A_119, %mul3A_121 : vector<128x128xf32>
      %add3A_123 = arith.constant 1.000000e+00 : f32
      %add3A_124 = vector.broadcast %add3A_123 : f32 to vector<128x128xf32>
      %add3A_125 = arith.addf %add3A_124, %mul3A_122 : vector<128x128xf32>
      %sub3A_126 = arith.constant 1.270000e+02 : f32
      %sub3A_127 = vector.broadcast %sub3A_126 : f32 to vector<128x128xf32>
      %sub3A_128 = arith.subf %convert_element_type3A_115, %sub3A_127 : vector<128x128xf32>
      %mul3A_129 = arith.constant 0.693147182 : f32
      %mul3A_130 = vector.broadcast %mul3A_129 : f32 to vector<128x128xf32>
      %mul3A_131 = arith.mulf %sub3A_128, %mul3A_130 : vector<128x128xf32>
      %exp3A_132 = math.exp %mul3A_131 : vector<128x128xf32>
      %mul3A_133 = arith.mulf %add3A_125, %exp3A_132 : vector<128x128xf32>
      %sub3A_134 = arith.constant 1.000000e+00 : f32
      %sub3A_135 = arith.subf %get3A_27, %sub3A_134 : f32
      %mul3A_136 = arith.constant 2.500000e-01 : f32
      %mul3A_137 = arith.mulf %mul3A_136, %sub3A_135 : f32
      %sub3A_138 = arith.constant 1.000000e+00 : f32
      %sub3A_139 = arith.subf %get3A_27, %sub3A_138 : f32
      %mul3A_140 = arith.constant 7.500000e-01 : f32
      %mul3A_141 = arith.mulf %mul3A_140, %sub3A_139 : f32
      %floor3A = math.floor %mul3A_137 : f32
      %floor3A_142 = math.floor %mul3A_141 : f32
      %sub3A_143 = arith.constant 1.000000e+00 : f32
      %sub3A_144 = arith.subf %get3A_27, %sub3A_143 : f32
      %jit3A_145 = arith.constant 0.000000e+00 : f32
      %max3A_146 = arith.maximumf %jit3A_145, %floor3A : f32
      %min3A = arith.minimumf %sub3A_144, %max3A_146 : f32
      %ceil3A = math.ceil %mul3A_137 : f32
      %sub3A_147 = arith.constant 1.000000e+00 : f32
      %sub3A_148 = arith.subf %get3A_27, %sub3A_147 : f32
      %jit3A_149 = arith.constant 0.000000e+00 : f32
      %max3A_150 = arith.maximumf %jit3A_149, %ceil3A : f32
      %min3A_151 = arith.minimumf %sub3A_148, %max3A_150 : f32
      %sub3A_152 = arith.constant 1.000000e+00 : f32
      %sub3A_153 = arith.subf %get3A_27, %sub3A_152 : f32
      %jit3A_154 = arith.constant 0.000000e+00 : f32
      %max3A_155 = arith.maximumf %jit3A_154, %floor3A_142 : f32
      %min3A_156 = arith.minimumf %sub3A_153, %max3A_155 : f32
      %ceil3A_157 = math.ceil %mul3A_141 : f32
      %sub3A_158 = arith.constant 1.000000e+00 : f32
      %sub3A_159 = arith.subf %get3A_27, %sub3A_158 : f32
      %jit3A_160 = arith.constant 0.000000e+00 : f32
      %max3A_161 = arith.maximumf %jit3A_160, %ceil3A_157 : f32
      %min3A_162 = arith.minimumf %sub3A_159, %max3A_161 : f32
      %le3A = vector.broadcast %min3A : f32 to vector<128x128xf32>
      %le3A_163 = arith.cmpf ole, %max3A_45, %le3A : vector<128x128xf32>
      %gt3A = vector.broadcast %min3A : f32 to vector<128x128xf32>
      %gt3A_164 = arith.cmpf ogt, %max3A_52, %gt3A : vector<128x128xf32>
      %and3A_165 = arith.andi %le3A_163, %gt3A_164 : vector<128x128xi1>
      %jit3A_166 = arith.constant 0.000000e+00 : f32
      %broadcast_in_dim3A_167 = vector.broadcast %jit3A_166 : f32 to vector<128x128xf32>
      %select_n3A_168 = arith.select %and3A_165, %mul3A_108, %broadcast_in_dim3A_167 : vector<128x128xi1>, vector<128x128xf32>
      %reduce_sum3A_169 = vector.shape_cast %select_n3A_168 : vector<128x128xf32> to vector<1x128x128xf32>
      %reduce_sum3A_170 = arith.constant dense<0.000000e+00> : vector<1xf32>
      %reduce_sum3A_171 = vector.multi_reduction <add>, %reduce_sum3A_169, %reduce_sum3A_170 [1, 2] : vector<1x128x128xf32> to vector<1xf32>
      %reduce_sum3A_172 = vector.shape_cast %reduce_sum3A_171 : vector<1xf32> to vector<1x1x1xf32>
      %reduce_sum3A_173 = vector.extract %reduce_sum3A_172[0, 0, 0] : f32 from vector<1x1x1xf32>
      %le3A_174 = vector.broadcast %min3A_151 : f32 to vector<128x128xf32>
      %le3A_175 = arith.cmpf ole, %max3A_45, %le3A_174 : vector<128x128xf32>
      %gt3A_176 = vector.broadcast %min3A_151 : f32 to vector<128x128xf32>
      %gt3A_177 = arith.cmpf ogt, %max3A_52, %gt3A_176 : vector<128x128xf32>
      %and3A_178 = arith.andi %le3A_175, %gt3A_177 : vector<128x128xi1>
      %jit3A_179 = arith.constant 0.000000e+00 : f32
      %broadcast_in_dim3A_180 = vector.broadcast %jit3A_179 : f32 to vector<128x128xf32>
      %select_n3A_181 = arith.select %and3A_178, %mul3A_108, %broadcast_in_dim3A_180 : vector<128x128xi1>, vector<128x128xf32>
      %reduce_sum3A_182 = vector.shape_cast %select_n3A_181 : vector<128x128xf32> to vector<1x128x128xf32>
      %reduce_sum3A_183 = arith.constant dense<0.000000e+00> : vector<1xf32>
      %reduce_sum3A_184 = vector.multi_reduction <add>, %reduce_sum3A_182, %reduce_sum3A_183 [1, 2] : vector<1x128x128xf32> to vector<1xf32>
      %reduce_sum3A_185 = vector.shape_cast %reduce_sum3A_184 : vector<1xf32> to vector<1x1x1xf32>
      %reduce_sum3A_186 = vector.extract %reduce_sum3A_185[0, 0, 0] : f32 from vector<1x1x1xf32>
      %le3A_187 = vector.broadcast %min3A_156 : f32 to vector<128x128xf32>
      %le3A_188 = arith.cmpf ole, %max3A_45, %le3A_187 : vector<128x128xf32>
      %gt3A_189 = vector.broadcast %min3A_156 : f32 to vector<128x128xf32>
      %gt3A_190 = arith.cmpf ogt, %max3A_52, %gt3A_189 : vector<128x128xf32>
      %and3A_191 = arith.andi %le3A_188, %gt3A_190 : vector<128x128xi1>
      %jit3A_192 = arith.constant 0.000000e+00 : f32
      %broadcast_in_dim3A_193 = vector.broadcast %jit3A_192 : f32 to vector<128x128xf32>
      %select_n3A_194 = arith.select %and3A_191, %mul3A_108, %broadcast_in_dim3A_193 : vector<128x128xi1>, vector<128x128xf32>
      %reduce_sum3A_195 = vector.shape_cast %select_n3A_194 : vector<128x128xf32> to vector<1x128x128xf32>
      %reduce_sum3A_196 = arith.constant dense<0.000000e+00> : vector<1xf32>
      %reduce_sum3A_197 = vector.multi_reduction <add>, %reduce_sum3A_195, %reduce_sum3A_196 [1, 2] : vector<1x128x128xf32> to vector<1xf32>
      %reduce_sum3A_198 = vector.shape_cast %reduce_sum3A_197 : vector<1xf32> to vector<1x1x1xf32>
      %reduce_sum3A_199 = vector.extract %reduce_sum3A_198[0, 0, 0] : f32 from vector<1x1x1xf32>
      %le3A_200 = vector.broadcast %min3A_162 : f32 to vector<128x128xf32>
      %le3A_201 = arith.cmpf ole, %max3A_45, %le3A_200 : vector<128x128xf32>
      %gt3A_202 = vector.broadcast %min3A_162 : f32 to vector<128x128xf32>
      %gt3A_203 = arith.cmpf ogt, %max3A_52, %gt3A_202 : vector<128x128xf32>
      %and3A_204 = arith.andi %le3A_201, %gt3A_203 : vector<128x128xi1>
      %jit3A_205 = arith.constant 0.000000e+00 : f32
      %broadcast_in_dim3A_206 = vector.broadcast %jit3A_205 : f32 to vector<128x128xf32>
      %select_n3A_207 = arith.select %and3A_204, %mul3A_108, %broadcast_in_dim3A_206 : vector<128x128xi1>, vector<128x128xf32>
      %reduce_sum3A_208 = vector.shape_cast %select_n3A_207 : vector<128x128xf32> to vector<1x128x128xf32>
      %reduce_sum3A_209 = arith.constant dense<0.000000e+00> : vector<1xf32>
      %reduce_sum3A_210 = vector.multi_reduction <add>, %reduce_sum3A_208, %reduce_sum3A_209 [1, 2] : vector<1x128x128xf32> to vector<1xf32>
      %reduce_sum3A_211 = vector.shape_cast %reduce_sum3A_210 : vector<1xf32> to vector<1x1x1xf32>
      %reduce_sum3A_212 = vector.extract %reduce_sum3A_211[0, 0, 0] : f32 from vector<1x1x1xf32>
      %sub3A_213 = arith.subf %mul3A_137, %floor3A : f32
      %sub3A_214 = arith.subf %mul3A_141, %floor3A_142 : f32
      %sub3A_215 = arith.constant 1.000000e+00 : f32
      %sub3A_216 = arith.subf %sub3A_215, %sub3A_213 : f32
      %mul3A_217 = arith.mulf %reduce_sum3A_173, %sub3A_216 : f32
      %mul3A_218 = arith.mulf %reduce_sum3A_186, %sub3A_213 : f32
      %add3A_219 = arith.addf %mul3A_217, %mul3A_218 : f32
      %sub3A_220 = arith.constant 1.000000e+00 : f32
      %sub3A_221 = arith.subf %sub3A_220, %sub3A_214 : f32
      %mul3A_222 = arith.mulf %reduce_sum3A_199, %sub3A_221 : f32
      %mul3A_223 = arith.mulf %reduce_sum3A_212, %sub3A_214 : f32
      %add3A_224 = arith.addf %mul3A_222, %mul3A_223 : f32
      %sub3A_225 = arith.subf %add3A_224, %add3A_219 : f32
      %div3A = arith.divf %get3A_29, %get3A_27 : f32
      %mul3A_226 = arith.constant 2.000000e+00 : f32
      %mul3A_227 = arith.mulf %mul3A_226, %div3A : f32
      %mul3A_228 = arith.mulf %mul3A_227, %get3A_29 : f32
      %sub3A_229 = arith.subf %get3A_31, %mul3A_228 : f32
      %mul3A_230 = arith.mulf %get3A_27, %div3A : f32
      %mul3A_231 = arith.mulf %mul3A_230, %div3A : f32
      %add3A_232 = arith.addf %sub3A_229, %mul3A_231 : f32
      %sub3A_233 = arith.constant 1.000000e+00 : f32
      %sub3A_234 = arith.subf %get3A_27, %sub3A_233 : f32
      %div3A_235 = arith.divf %add3A_232, %sub3A_234 : f32
      %sqrt3A = math.sqrt %div3A_235 : f32
      %div3A_236 = arith.constant 1.340000e+00 : f32
      %div3A_237 = arith.divf %sub3A_225, %div3A_236 : f32
      %min3A_238 = arith.minimumf %sqrt3A, %div3A_237 : f32
      %mul3A_239 = arith.constant 1.060000e+00 : f32
      %mul3A_240 = arith.mulf %mul3A_239, %min3A_238 : f32
      %log3A = math.log %get3A_27 : f32
      %mul3A_241 = arith.constant -2.000000e-01 : f32
      %mul3A_242 = arith.mulf %mul3A_241, %log3A : f32
      %exp3A_243 = math.exp %mul3A_242 : f32
      %mul3A_244 = arith.mulf %mul3A_240, %exp3A_243 : f32
      %mul3A_245 = arith.constant 2.30258512 : f32
      %mul3A_246 = arith.mulf %mul3A_244, %mul3A_245 : f32
      %gt3A_247 = arith.constant 0.000000e+00 : f32
      %gt3A_248 = vector.broadcast %gt3A_247 : f32 to vector<128x128xf32>
      %gt3A_249 = arith.cmpf ogt, %reduce_sum3A_13, %gt3A_248 : vector<128x128xf32>
      %gt3A_250 = vector.broadcast %mul3A_246 : f32 to vector<128x128xf32>
      %gt3A_251 = arith.cmpf ogt, %mul3A_133, %gt3A_250 : vector<128x128xf32>
      %and3A_252 = arith.andi %gt3A_249, %gt3A_251 : vector<128x128xi1>
      %max3A_253 = vector.broadcast %mul3A_246 : f32 to vector<128x128xf32>
      %max3A_254 = arith.maximumf %mul3A_83, %max3A_253 : vector<128x128xf32>
      %jit3A_255 = arith.constant 0x7F800000 : f32
      %broadcast_in_dim3A_256 = vector.broadcast %jit3A_255 : f32 to vector<128x128xf32>
      %select_n3A_257 = arith.select %and3A_252, %max3A_254, %broadcast_in_dim3A_256 : vector<128x128xi1>, vector<128x128xf32>
      %reduce_min3A = vector.shape_cast %select_n3A_257 : vector<128x128xf32> to vector<1x128x128xf32>
      %reduce_min3A_258 = arith.constant dense<0x7F800000> : vector<1xf32>
      %reduce_min3A_259 = vector.multi_reduction <minimumf>, %reduce_min3A, %reduce_min3A_258 [1, 2] : vector<1x128x128xf32> to vector<1xf32>
      %reduce_min3A_260 = vector.shape_cast %reduce_min3A_259 : vector<1xf32> to vector<1x1x1xf32>
      %reduce_min3A_261 = vector.extract %reduce_min3A_260[0, 0, 0] : f32 from vector<1x1x1xf32>
      %mul3A_262 = arith.mulf %reduce_min3A_261, %reduce_min3A_261 : f32
      %get3A_263 = arith.constant 0 : index
      %get3A_264 = memref.load %arg4[%get3A_263] : memref<1xf32, #tpu.memory_space<smem>>
      %min3A_265 = arith.minimumf %mul3A_262, %get3A_264 : f32
      %swap3A_266 = arith.constant 0 : index
      %swap3A_267 = memref.load %arg7[%swap3A_266] : memref<1xf32, #tpu.memory_space<smem>>
      memref.store %min3A_265, %arg7[%swap3A_266] : memref<1xf32, #tpu.memory_space<smem>>
      %sqrt3A_268 = math.sqrt %min3A_265 : f32
      %swap3A_269 = arith.constant 0 : index
      %swap3A_270 = memref.load %arg8[%swap3A_269] : memref<1xf32, #tpu.memory_space<smem>>
      memref.store %sqrt3A_268, %arg8[%swap3A_269] : memref<1xf32, #tpu.memory_space<smem>>
    } else {
    }
    %get3A = arith.constant 0 : index
    %get3A_2 = memref.load %arg8[%get3A] : memref<1xf32, #tpu.memory_space<smem>>
    %get3A_3 = arith.constant 0 : index
    %get3A_4 = arith.constant 0 : index
    %get3A_5 = vector.load %arg5[%get3A_3, %get3A_4] : memref<1024x1024xf32, #tpu.memory_space<vmem>>, vector<1024x1024xf32>
    %abs3A = math.absf %get3A_5 : vector<1024x1024xf32>
    %lt3A = vector.broadcast %get3A_2 : f32 to vector<1024x1024xf32>
    %lt3A_6 = arith.cmpf olt, %abs3A, %lt3A : vector<1024x1024xf32>
    %jit3A = arith.constant 0.000000e+00 : f32
    %broadcast_in_dim3A = vector.broadcast %jit3A : f32 to vector<1024x1024xf32>
    %select_n3A = arith.select %lt3A_6, %broadcast_in_dim3A, %get3A_5 : vector<1024x1024xi1>, vector<1024x1024xf32>
    %swap3A = arith.constant 0 : index
    %swap3A_7 = arith.constant 0 : index
    %swap3A_8 = vector.load %arg6[%swap3A, %swap3A_7] : memref<1024x1024xf32, #tpu.memory_space<vmem>>, vector<1024x1024xf32>
    tpu.vector_store %arg6[%swap3A, %swap3A_7], %select_n3A {strides = array<i32>} : memref<1024x1024xf32, #tpu.memory_space<vmem>>, vector<1024x1024xf32>,
    return
  }
  func.func @transform_0(%arg0: i32) -> (i32, i32, i32) {
    %c0_i32 = arith.constant 0 : i32
    %c0_i32_0 = arith.constant 0 : i32
    %c0_i32_1 = arith.constant 0 : i32
    %c0_i32_2 = arith.constant 0 : i32
    return %c0_i32, %c0_i32_0, %c0_i32_1 : i32, i32, i32
  }
  func.func @transform_1(%arg0: i32) -> i32 {
    %c0_i32 = arith.constant 0 : i32
    %c0_i32_0 = arith.constant 0 : i32
    return %c0_i32 : i32
  }
  func.func @transform_2(%arg0: i32) -> i32 {
    %c0_i32 = arith.constant 0 : i32
    %c0_i32_0 = arith.constant 0 : i32
    return %c0_i32 : i32
  }
  func.func @transform_3(%arg0: i32) -> i32 {
    %c0_i32 = arith.constant 0 : i32
    %c0_i32_0 = arith.constant 0 : i32
    return %c0_i32 : i32
  }
  func.func @transform_4(%arg0: i32) -> (i32, i32) {
    %c0_i32 = arith.constant 0 : i32
    %c0_i32_0 = arith.constant 0 : i32
    return %arg0, %c0_i32 : i32, i32
  }
  func.func @transform_5(%arg0: i32) -> (i32, i32) {
    %c0_i32 = arith.constant 0 : i32
    %c0_i32_0 = arith.constant 0 : i32
    return %arg0, %c0_i32 : i32, i32
  }
  func.func @transform_6(%arg0: i32) -> i32 {
    %c0_i32 = arith.constant 0 : i32
    %c0_i32_0 = arith.constant 0 : i32
    return %c0_i32 : i32
  }
}

</mosaic_0001>

<sc_bundles>
// kernel: kernel.5.cloned.1.call-start
scs
__scs_entry_jumppad:
0x0: {  	(pc) =	sbr.rel $0x88, $3  }
0x1: {  	(tag) =	ssettag $0x0;
	lr =	simm.s32 $0x1  }
0x2: {  	[smem:$0x3F9B] =	sst lr;
	_ =	strace $0xD0000000  }
0x3: {  	_ = 	snop  }
0x4: {  	_ = 	snop  }
0x5: {  	_ = 	snop  }
0x6: {  	_ = 	snop  }
0x7: {  	_ = 	snop  }
__scs_overlays_trampoline_lowered:
0x8: {  	[smem:$0x3FAA] =	sst s0  }
0x9: {  	[smem:$0x3FAB] =	sst s1  }
0xa: {  	[smem:$0x3FAC] =	sst s2  }
0xb: {  	[smem:$0x3FAD] =	sst s3  }
0xc: {  	[smem:$0x3FAE] =	sst s4  }
0xd: {  	[smem:$0x3FAF] =	sst s5  }
0xe: {  	[smem:$0x3FB0] =	sst s6  }
0xf: {  	[smem:$0x3FB1] =	sst s7  }
0x10: {  	[smem:$0x3FB2] =	sst s8  }
0x11: {  	[smem:$0x3FB3] =	sst s9;
	s0 =	simm.s32 @!p0 $0x0  }
0x12: {  	s1 =	sld [smem:$0x3F99];
	s0 =	simm.s32 @p0 $0x1  }
0x13: {  	[smem:$0x3FB4] =	sst s0;
	s0 =	simm.s32 @!p1 $0x0  }
0x14: {  	s2 =	sld [smem:$0x3F98];
	s0 =	simm.s32 @p1 $0x1  }
0x15: {  	[smem:$0x3FB5] =	sst s0;
	s0 =	simm.s32 @!p2 $0x0  }
0x16: {  	s3 =	sld [smem:$0x3FDB];
	s0 =	simm.s32 @p2 $0x1  }
0x17: {  	s4 =	simm.s32 $0x1BF5;
	[smem:$0x3FB7] =	sst s0  }
0x18: {  	s0 =	sld [smem:$0x3F9A];
	_ =	swait.ge [sflag:s4], $0x0  }
0x19: {  	s7 =	sld [smem:$0x3F9B]  }
0x1a: {  	s8 =	sadd.s32 $0xFFFFE003, lr  }
0x1b: {  	s9 =	sadd.s32 $0xFFFFFEF7, lr;
	s5 =	simm.s32 $0xFFFFFFFF;
	p2 =	slt.u32 s8, $0xFFFFF086  }
0x1c: {  	p1 =	slt.u32 s9, $0xF7A;
	s5 =	simm.s32 @!p2 $0x0  }
0x1d: {  	s5 =	simm.s32 @p1 $0x1;
	p0 =	seq.s32 s7, s2  }
0x1e: {  	s7 =	smul.u32 @!p0 $0xF7A, s2;
	p2 =	seq.s32 @!p0 s5, $0x0  }
0x1f: {  	s9 =	smul.u32 $0xF7A, s1;
	s8 =	simm.s32 @!p0 $0x1BF5;
	p2 =	por !p2, p0  }
0x20: {  	[sflag:s8] =	ssyncset.s32 @!p0 $0xFFFFF086;
	s6 =	sadd.s32 @!p0 s3, s7;
	s7 =	simm.s32 @!p0 $0x108  }
0x21: {  	s3 =	sadd.s32 s3, s9;
	s6 =	sadd.s32 @!p0 $0x88, s6;
	s7 =	simm.s32 @p2 $0x1082  }
0x22: {  	[simem:s7], [sflag:s8] =	dma.local @!p0 [hbm:s6], $0xF7A  }
0x23: {  	s9 =	sor.u32 $0xD0000000, s2;
	s6 =	simm.s32 $0x108;
	_ =	swait.ge @!p0 [sflag:s8], $0x0  }
0x24: {  	s3 =	sadd.s32 $0x88, s3;
	s6 =	simm.s32 @!p1 $0x1082;
	[sflag:s4] =	ssyncset.s32 $0xFFFFF086  }
0x25: {  	[simem:s6], [sflag:s4] =	dma.local [hbm:s3], $0xF7A  }
0x26: {  	[smem:$0x3F9B] =	sst s1;
	(tag) =	ssettag s2;
	_ =	strace s9  }
0x27: {  	s1 =	sld [smem:$0x3FAB]  }
0x28: {  	s2 =	sld [smem:$0x3FAC]  }
0x29: {  	s4 =	sld [smem:$0x3FAE]  }
0x2a: {  	p0 =	seq.s32 s5, $0x0;
	s5 =	sld [smem:$0x3FAF]  }
0x2b: {  	s6 =	sld [smem:$0x3FB0]  }
0x2c: {  	s7 =	sld [smem:$0x3FB1]  }
0x2d: {  	s3 =	simm.s32 $0x108;
	s8 =	sld [smem:$0x3FB2]  }
0x2e: {  	s3 =	simm.s32 @!p0 $0x1082;
	s9 =	sld [smem:$0x3FB3]  }
0x2f: {  	lr =	sadd.s32 s0, s3;
	s0 =	sld [smem:$0x3FAA]  }
0x30: {  	s3 =	sld [smem:$0x3FAD]  }
0x31: {  	[smem:$0x3FB6] =	sst s10  }
0x32: {  	s10 =	sld [smem:$0x3FB4];
	_ =	sdelay $0x3  }
0x33: {  	p0 =	seq.s32 s10, $0x1;
	s10 =	sld [smem:$0x3FB6];
	_ =	sdelay $0x3  }
0x34: {  	[smem:$0x3FB6] =	sst s10  }
0x35: {  	s10 =	sld [smem:$0x3FB5];
	_ =	sdelay $0x3  }
0x36: {  	p1 =	seq.s32 s10, $0x1;
	s10 =	sld [smem:$0x3FB6];
	_ =	sdelay $0x3  }
0x37: {  	[smem:$0x3FB6] =	sst s10  }
0x38: {  	s10 =	sld [smem:$0x3FB7]  }
0x39: {  	_ = 	snop;
	(pc) =	sbr.ind lr, $3  }
0x3a: {  	_ = 	snop  }
0x3b: {  	_ = 	snop  }
0x3c: {  	p2 =	seq.s32 s10, $0x1;
	s10 =	sld [smem:$0x3FB6]  }
0x3d: {  	_ =	shalt  }
0x3e: {  	_ =	shalt  }
0x3f: {  	_ =	shalt  }
0x40: {  	_ =	shalt  }
0x41: {  	_ =	shalt  }
0x42: {  	_ =	shalt  }
0x43: {  	_ =	shalt  }
0x44: {  	_ =	shalt  }
0x45: {  	_ =	shalt  }
0x46: {  	_ =	shalt  }
0x47: {  	_ =	shalt  }
0x48: {  	_ =	shalt  }
0x49: {  	_ =	shalt  }
0x4a: {  	_ =	shalt  }
0x4b: {  	_ =	shalt  }
0x4c: {  	_ =	shalt  }
0x4d: {  	_ =	shalt  }
0x4e: {  	_ =	shalt  }
0x4f: {  	_ =	shalt  }
0x50: {  	_ =	shalt  }
0x51: {  	_ =	shalt  }
0x52: {  	_ =	shalt  }
0x53: {  	_ =	shalt  }
0x54: {  	_ =	shalt  }
0x55: {  	_ =	shalt  }
0x56: {  	_ =	shalt  }
0x57: {  	_ =	shalt  }
0x58: {  	_ =	shalt  }
0x59: {  	_ =	shalt  }
0x5a: {  	_ =	shalt  }
0x5b: {  	_ =	shalt  }
0x5c: {  	_ =	shalt  }
0x5d: {  	_ =	shalt  }
0x5e: {  	_ =	shalt  }
0x5f: {  	_ =	shalt  }
0x60: {  	_ =	shalt  }
0x61: {  	_ =	shalt  }
0x62: {  	_ =	shalt  }
0x63: {  	_ =	shalt  }
0x64: {  	_ =	shalt  }
0x65: {  	_ =	shalt  }
0x66: {  	_ =	shalt  }
0x67: {  	_ =	shalt  }
0x68: {  	_ =	shalt  }
0x69: {  	_ =	shalt  }
0x6a: {  	_ =	shalt  }
0x6b: {  	_ =	shalt  }
0x6c: {  	_ =	shalt  }
0x6d: {  	_ =	shalt  }
0x6e: {  	_ =	shalt  }
0x6f: {  	_ =	shalt  }
0x70: {  	_ =	shalt  }
0x71: {  	_ =	shalt  }
0x72: {  	_ =	shalt  }
0x73: {  	_ =	shalt  }
0x74: {  	_ =	shalt  }
0x75: {  	_ =	shalt  }
0x76: {  	_ =	shalt  }
0x77: {  	_ =	shalt  }
0x78: {  	_ =	shalt  }
0x79: {  	_ =	shalt  }
0x7a: {  	_ =	shalt  }
0x7b: {  	_ =	shalt  }
0x7c: {  	_ =	shalt  }
0x7d: {  	_ =	shalt  }
0x7e: {  	_ =	shalt  }
0x7f: {  	_ =	shalt  }
0x80: {  	_ =	shalt  }
0x81: {  	_ =	shalt  }
0x82: {  	_ =	shalt  }
0x83: {  	_ =	shalt  }
0x84: {  	_ =	shalt  }
0x85: {  	_ =	shalt  }
0x86: {  	_ =	shalt  }
0x87: {  	_ =	shalt  }
.Lfunc_end0:
.L_simem_size_0:
called_computation_lowered:
.L_overlay_start_0:
0x88: {  	s2 =	sld [smem:$0x3FD9]  }
0x89: {  	s3 =	sld [smem:$0x3FFE];
	_ =	sdelay $0x1  }
0x8a: {  	s1 =	srdreg.scid  }
0x8b: {  	s0 =	sand.u32 $0x1, s1  }
0x8c: {  	s14 =	sshll.u32 s0, $0xA;
	s2 =	sadd.s32 s3, s2  }
0x8d: {  	s2 =	sadd.s32 s2, s14  }
0x8e: {  	[smem:$0x3FC2] =	sst s2  }
0x8f: {  	_ = 	snop  }
0x90: {  	s2 =	sld [smem:$0x3FD0];
	_ =	sdelay $0x2  }
0x91: {  	s15 =	simm.s32 $0xA;
	s4 =	simm.s32 $0x10  }
0x92: {  	[smem:s4], [sflag:s15] =	dma.local [hbm:s2], $0x1  }
0x93: {  	_ =	swait.eq [sflag:s15], $0x1  }
0x94: {  	[sflag:s15] =	ssyncset.done $0x0  }
0x95: {  	[sflag:s15] =	ssyncadd.s32 $0xFFFFFFFF  }
0x96: {  	s16 =	sld [smem:$0x10];
	(tm) =	ssettm $0x1  }
0x97: {  	s17 =	sld [smem:$0x3FFB];
	_ =	sdelay $0x3  }
0x98: {  	_ =	strace s17  }
0x99: {  	s3 =	sld [smem:$0x3FFC];
	_ =	sdelay $0x3  }
0x9a: {  	_ =	strace s3  }
0x9b: {  	s3 =	sld [smem:$0x3FFD];
	_ =	sdelay $0x3  }
0x9c: {  	_ =	strace s3  }
0x9d: {  	_ =	strace $0x8FFFFFFF  }
0x9e: {  	s18 =	sld [smem:$0x3FDB];
	_ =	sdelay $0x1  }
0x9f: {  	s19 =	simm.s32 $_scs_section_size  }
0xa0: {  	s5 =	simm.s32 $_size__tile_overlayer_lowered;
	s6 =	simm.s32 $_tile_overlayer_lowered  }
0xa1: {  	s22 =	simm.s32 $0x1BFF;
	s21 =	sshll.u32 s6, $0x1;
	s3 =	sadd.s32 s19, s18  }
0xa2: {  	s7 =	simm.s32 $0x0;
	s20 =	sshll.u32 s5, $0x1;
	s5 =	sadd.s32 s21, s3  }
0xa3: {  	[timem:s7], [sflag:s22] =	dma.local [hbm:s5], s20  }
0xa4: {  	_ =	swait.ge [sflag:s22], s20  }
0xa5: {  	s4 =	ssub.s32 $0x0, s20;
	[sflag:s22] =	ssyncset.done $0x0  }
0xa6: {  	[sflag:s22] =	ssyncadd.s32 s4;
	_ =	sdelay $0x1  }
0xa7: {  	s23 =	simm.s32 $0x1B8B  }
0xa8: {  	_ =	swait.ge [sflag:s23], $0x1  }
0xa9: {  	[sflag:s23] =	ssyncset.done $0x0  }
0xaa: {  	s25 =	simm.s32 $0x1B8E;
	s24 =	sld [smem:$0x3FFE];
	[sflag:s23] =	ssyncadd.s32 $0xFFFFFFFF  }
0xab: {  	s26 =	simm.s32 $execute0_lowered;
	[smem:$0x3FD2] =	sst s25  }
0xac: {  	s5 =	sshll.u32 s26, $0x1;
	_ =	strace $0x80000046;
	[dreg:$0x1] =	wrdreg $0xFFFFFFFF  }
0xad: {  	s28 =	simm.s32 $_size_execute0_lowered;
	s3 =	sadd.s32 s3, s5;
	[dreg:$0x0] =	wrdreg $0x0  }
0xae: {  	s5 =	sshll.u32 s28, $0x1;
	[dreg:$0x2] =	wrdreg s3  }
0xaf: {  	[dreg:$0x3] =	wrdreg s5  }
0xb0: {  	[dreg:$0x4] =	wrdreg $0xC0  }
0xb1: {  	_ =	task [dreg:s7], $0x5FFFF  }
0xb2: {  	[dreg:$0x1] =	wrdreg $0xFFFFFFFF  }
0xb3: {  	[dreg:$0x0] =	wrdreg $0x60  }
0xb4: {  	[dreg:$0x2] =	wrdreg s16  }
0xb5: {  	[dreg:$0x3] =	wrdreg s24  }
0xb6: {  	[dreg:$0x4] =	wrdreg $0x9  }
0xb7: {  	_ =	task.clear_ibuf [dreg:s7], $0x5FFFF;
	_ =	strace $0x90000046  }
0xb8: {  	s29 =	simm.s32 $0x9;
	_ =	strace $0x80000048  }
0xb9: {  	_ =	swait.ge [sflag:s29], $0x1  }
0xba: {  	[sflag:s29] =	ssyncadd.s32 $0xFFFFFFFF  }
0xbb: {  	_ =	strace $0x90000048  }
0xbc: {  	_ =	sfence  }
0xbd: {  	s30 =	sld [smem:$0x0];
	_ =	sdelay $0x2  }
0xbe: {  	s31 =	sshll.u32 s1, $0xD;
	s1 =	sshrl.u32 s1, $0x2  }
0xbf: {  	s3 =	sand.u32 $0x4000, s31;
	s1 =	sadd.s32 s1, s30  }
0xc0: {  	s0 =	sor.u32 s3, s0;
	s1 =	sshll.u32 s1, $0x11  }
0xc1: {  	s0 =	sor.u32 s1, s0  }
0xc2: {  	s0 =	sadd.s32 $0x8F2B, s0  }
0xc3: {  	[sflag:s0] =	ssyncadd.remote.s32 $0x1  }
0xc4: {  	_ =	sfence.sel $0xFFFF  }
0xc5: {  	[dreg:$0x0] =	wrdreg $0xFFFFFFFF;
	(pc) =	sbr.abs _section_cstart, $3  }
0xc6: {  	[dreg:$0x1] =	wrdreg $0xFFFFFFFF  }
0xc7: {  	_ =	task.clear_ibuf [dreg:s7], $0x2FFFF;
	_ =	strace $0x9FFFFFFF  }
0xc8: {  	(tm) =	ssettm $0x7FFFFFFF  }
0xc9: {  	_ =	shalt  }
tec
execute0_lowered:
.L_overlay_start_1:
0x0: {  	(tag) =	ssettag $0x1  }
0x1: {  	s4 =	rddreg [dreg:$0x0]  }
0x2: {  	s5 =	rddreg [dreg:$0x1]  }
0x3: {  	s0 =	rddreg [dreg:$0x2];
	s2 =	simm.s32 $0x0;
	s1 =	stileid.u32  }
0x4: {  	s7 =	srdreg.scid;
	s11 =	simm.s32 $0x3;
	s12 =	simm.s32 $0x4000  }
0x5: {  	s13 =	simm.s32 $0x1;
	s14 =	simm.s32 $0x8080;
	s15 =	simm.s32 $0x2  }
0x6: {  	s16 =	simm.s32 $0x80;
	s17 =	simm.s32 $0x400;
	s18 =	simm.s32 $0x0  }
0x7: {  	[smem:$0x7FF] =	sst s2;
	s3 =	sadd.s32 $0x81000, s5;
	s6 =	sshll.u32 s1, $0xE  }
0x8: {  	s7 =	sand.u32 $0x1, s7;
	s8 =	sshll.u32 s1, $0x1;
	_ =	strace $0x80000047  }
0x9: {  	s6 =	sand.u32 $0x30000, s6;
	s26 =	ssub.s32 $0x2, s7;
	s28 =	sor.u32 s7, s8  }
.Ltmp0:
0xa: {  	s9 =	sadd.s32 s6, s5;
	s8 =	sshll.u32 s28, $0xE;
	(pc) =	sbr.rel .LBB2_1-.Ltmp0, $4  }
0xb: {  	s29 =	sshrl.u32 s26, $0x1;
	s6 =	sshll.u32 s28, $0x4;
	s4 =	sadd.s32 s4, s8  }
0xc: {  	s10 =	ssub.s32 s26, s29;
	s30 =	sand.u32 $0x70, s6;
	s5 =	sadd.s32 $0x800, s4  }
0xd: {  	s6 =	sadd.s32 $0x1000, s4;
	s31 =	sadd.s32 s30, s9;
	s7 =	sadd.s32 $0x1800, s4  }
0xe: {  	v0 =	vimm.f32 $0.0e+00;
	v1 =	vimm.f32 $1.000000000e+00;
	s9 =	smax.u32 s10, $0x1;
	s10 =	simm.s32 $0x8000;
	s8 =	sadd.s32 $0x81200, s31  }
.LBB2_10:
0xf: {  	s18 =	sadd.s32 $0x1, s18  }
0x10: {  	p0 =	sne.s32 s18, s9  }
.Ltmp1:
0x11: {  	_ = 	snop;
	(pc) =	sbr.rel @!p0 .LBB2_11-.Ltmp1, $4  }
0x12: {  	[hbm4b:s8+s16] =	stream.strided.scatter [tilespmem:s14], [sflag:$0x3], $0x10000, s17, s16, $0x38;
	[tilespmem:$0x18080] =	vst v63  }
0x13: {  	_ =	swait.ge [sflag:s11], $0x10000  }
0x14: {  	[sflag:s11] =	ssyncset.done $0x0  }
0x15: {  	[sflag:s11] =	ssyncadd.s32 $0xFFFF0000  }
.LBB2_1:
0x16: {  	s19 =	simm.s32 $0x80C0  }
0x17: {  	[tilespmem:s19+$0xFFFFFFC0] =	vst v0  }
0x18: {  	[tilespmem:s19+$0x30] =	vst v0  }
0x19: {  	[tilespmem:s19+$0x20] =	vst v0  }
0x1a: {  	[tilespmem:s19+$0x10] =	vst v0  }
0x1b: {  	[tilespmem:s19+$0x0] =	vst v0  }
0x1c: {  	[tilespmem:s19+$0xFFFFFFF0] =	vst v0  }
0x1d: {  	s20 =	simm.s32 $0x0;
	[tilespmem:s19+$0xFFFFFFE0] =	vst v0  }
.LBB2_2:
0x1e: {  	s20 =	sadd.s32 $0x8, s20;
	[tilespmem:s19+$0xFFFFFFD0] =	vst v0;
	s19 =	sadd.s32 $0x80, s19  }
0x1f: {  	[tilespmem:s19+$0xFFFFFFC0] =	vst v0;
	p0 =	slt.u32 s20, $0xFF8  }
0x20: {  	[tilespmem:s19+$0x30] =	vst v0  }
.Ltmp2:
0x21: {  	[tilespmem:s19+$0x20] =	vst v0;
	(pc) =	sbr.rel @p0 .LBB2_2-.Ltmp2, $4  }
0x22: {  	[tilespmem:s19+$0x10] =	vst v0  }
0x23: {  	[tilespmem:s19+$0x0] =	vst v0  }
0x24: {  	[tilespmem:s19+$0xFFFFFFF0] =	vst v0  }
0x25: {  	[tilespmem:s19+$0xFFFFFFE0] =	vst v0  }
0x26: {  	[tilespmem:s19+$0xFFFFFFD0] =	vst v0;
	s19 =	simm.s32 $0x0  }
0x27: {  	[tilespmem:s10], [sflag:$0x3] =	stream.linear.gather [hbm4b:s3+s19], $0x80, $0x38;
	[tilespmem:$0x18080] =	vst v63  }
0x28: {  	_ =	swait.ge [sflag:s11], $0x80  }
0x29: {  	[sflag:s11] =	ssyncset.done $0x0  }
0x2a: {  	[sflag:s11] =	ssyncadd.s32 $0xFFFFFF80  }
0x2b: {  	v2 =	vld.msk [tilespmem:s10+$0x0], $0xffff;
	[tilespmem:s19], [sflag:$0x1] =	stream.linear.gather [hbm4b:s4+s19], $0x4000, $0x38  }
0x2c: {  	s20 =	simm.s32 $0x0  }
0x2d: {  	[tilespmem:s12], [sflag:$0x2] =	stream.linear.gather [hbm4b:s5+s19], $0x4000, $0x38;
	[tilespmem:$0x18080] =	vst v63  }
.LBB2_4:
0x2e: {  	_ =	swait.ge [sflag:s13], $0x4000;
	s21 =	simm.s32 $0x0  }
0x2f: {  	s22 =	simm.s32 $0x0;
	s23 =	sand.u32 $0x1800, s19;
	s21 =	sand.u32 $0x2000, s21  }
0x30: {  	[sflag:s13] =	ssyncset.done $0x0;
	s22 =	sand.u32 $0x380, s22;
	s23 =	sor.u32 s23, s21  }
0x31: {  	[sflag:s13] =	ssyncadd.s32 $0xFFFFC000;
	s23 =	sor.u32 s22, s23  }
0x32: {  	v3 =	vld [tilespmem:s23+$0x470]  }
0x33: {  	v4 =	vld [tilespmem:s23+$0x10]  }
0x34: {  	v5 =	vld [tilespmem:s23+$0x20]  }
0x35: {  	v6 =	vld [tilespmem:s23+$0x30]  }
0x36: {  	v7 =	vld [tilespmem:s23+$0x50]  }
0x37: {  	v8 =	vld [tilespmem:s23+$0x60]  }
0x38: {  	v10 =	vld [tilespmem:s23+$0x70]  }
0x39: {  	v15 =	vld [tilespmem:s23+$0x420];
	_ =	sdelay $0x2  }
0x3a: {  	v13 =	vld [tilespmem:s23+$0x410];
	v9 =	vand.u32 $0x7FFFFFFF, v3;
	v3 =	vand.u32 $0x7FFFFFFF, v4;
	v4 =	vand.u32 $0x7FFFFFFF, v5  }
0x3b: {  	v20 =	vld [tilespmem:s23+$0x460];
	v5 =	vand.u32 $0x7FFFFFFF, v6;
	v6 =	vand.u32 $0x7FFFFFFF, v7;
	v7 =	vand.u32 $0x7FFFFFFF, v8  }
0x3c: {  	v8 =	vand.u32 $0x7FFFFFFF, v10;
	v10 =	vand.u32 $0x7FFFFFFF, v15;
	v11 =	vsub.s32 v9, v2  }
0x3d: {  	v18 =	vld [tilespmem:s23+$0x450];
	v12 =	vsub.s32 v3, v2;
	v14 =	vsub.s32 v4, v2;
	v16 =	vsub.s32 v5, v2  }
0x3e: {  	v25 =	vld [tilespmem:s23+$0x40];
	vm1 =	vne.s32 v9, $0x0;
	v19 =	vsub.s32 v6, v2;
	v22 =	vsub.s32 v7, v2  }
0x3f: {  	v23 =	vsub.s32 v8, v2;
	v9 =	vand.u32 $0x7FFFFFFF, v13;
	v28 =	vsub.s32 v10, v2  }
0x40: {  	v13 =	vand.u32 $0x7FFFFFFF, v20;
	v11 =	vshra.s32 v11, $0xC;
	v24 =	vshra.s32 v12, $0xC  }
0x41: {  	v26 =	vsub.s32 v9, v2;
	v27 =	vshra.s32 v14, $0xC;
	v29 =	vshra.s32 v16, $0xC  }
0x42: {  	v12 =	vand.u32 $0x7FFFFFFF, v18;
	v18 =	vshra.s32 v19, $0xC;
	v20 =	vshra.s32 v22, $0xC  }
0x43: {  	v16 =	vand.u32 $0x7FFFFFFF, v25;
	v22 =	vshra.s32 v23, $0xC;
	v25 =	vshra.s32 v28, $0xC  }
0x44: {  	s24 =	sand.u32 $0x6000, s19;
	vm0 =	vgt.s32 v11, $0x0;
	v19 =	vsub.s32 v12, v2;
	v23 =	vshra.s32 v26, $0xC  }
0x45: {  	s24 =	sshrl.u32 s24, $0x2;
	vm2 =	vgt.s32 v27, $0x0;
	vm3 =	vgt.s32 v29, $0x0;
	vm4 =	vgt.s32 v18, $0x0  }
0x46: {  	s21 =	sor.u32 s24, s21;
	vm5 =	vgt.s32 v20, $0x0;
	vm6 =	vgt.s32 v22, $0x0;
	vm8 =	vgt.s32 v25, $0x0  }
0x47: {  	s21 =	sor.u32 s22, s21;
	v17 =	vld [tilespmem:s23+$0x430];
	v11 =	vnsel vm0, $0x0, v11;
	v19 =	vshra.s32 v19, $0xC;
	vm0 =	vgt.s32 v24, $0x0  }
0x48: {  	v21 =	vld [tilespmem:s21+$0x0];
	vm7 =	vgt.s32 v23, $0x0;
	v36 =	vnsel vm2, $0x0, v27;
	v29 =	vnsel vm3, $0x0, v29  }
0x49: {  	v14 =	vld [tilespmem:s21+$0x400];
	v18 =	vnsel vm4, $0x0, v18;
	v20 =	vnsel vm5, $0x0, v20;
	v22 =	vnsel vm6, $0x0, v22  }
0x4a: {  	v31 =	vld [tilespmem:s23+$0x440];
	v37 =	vnsel vm8, $0x0, v25;
	v11 =	vmin.u32 v11, $0x3FFF;
	v35 =	vnsel vm0, $0x0, v24  }
0x4b: {  	vm0 =	vgt.s32 v19, $0x0;
	v63 =	vnsel vm7, $0x0, v23;
	v25 =	vmin.u32 v20, $0x3FFF  }
0x4c: {  	v23 =	vmin.u32 v22, $0x3FFF;
	v33 =	vor.u32 $0xC000, v11;
	v11 =	vand.u32 $0x7FFFFFFF, v17  }
0x4d: {  	v17 =	vand.u32 $0x7FFFFFFF, v21;
	v21 =	vsub.s32 v13, v2;
	v19 =	vnsel vm0, $0x0, v19  }
0x4e: {  	v22 =	vmin.u32 v63, $0x3FFF;
	v30 =	vsub.s32 v11, v2;
	v15 =	vand.u32 $0x7FFFFFFF, v14  }
0x4f: {  	v14 =	vand.u32 $0x7FFFFFFF, v31;
	v21 =	vshra.s32 v21, $0xC;
	v26 =	vsub.s32 v17, v2  }
0x50: {  	v31 =	vsub.s32 v16, v2;
	v19 =	vmin.u32 v19, $0x3FFF;
	v30 =	vshra.s32 v30, $0xC  }
0x51: {  	v32 =	vsub.s32 v15, v2;
	v34 =	vsub.s32 v14, v2;
	vm2 =	vgt.s32 v21, $0x0  }
0x52: {  	v28 =	vshra.s32 v26, $0xC;
	v27 =	vshra.s32 v31, $0xC;
	v31 =	vmin.u32 v36, $0x3FFF  }
0x53: {  	vm9 =	vgt.s32 v30, $0x0;
	v26 =	vshra.s32 v32, $0xC;
	v24 =	vshra.s32 v34, $0xC  }
0x54: {  	v39 =	vnsel vm2, $0x0, v21;
	vm6 =	vgt.s32 v28, $0x0;
	vm5 =	vgt.s32 v27, $0x0  }
0x55: {  	v32 =	vmin.u32 v35, $0x3FFF;
	v21 =	vmin.u32 v37, $0x3FFF;
	v38 =	vnsel vm9, $0x0, v30  }
0x56: {  	vm4 =	vgt.s32 v26, $0x0;
	vm0 =	vgt.s32 v24, $0x0;
	v30 =	vmin.u32 v29, $0x3FFF  }
0x57: {  	s22 =	simm.s32 $0x2000;
	s23 =	simm.s32 $0x0;
	s21 =	simm.s32 $0x0;
	v29 =	vmin.u32 v18, $0x3FFF;
	v18 =	vmin.u32 v39, $0x3FFF;
	[tilespmem:v33+s14+$0x0] =	vst.idx.add.f32.msk vm1, v1;
	v20 =	vmin.u32 v38, $0x3FFF  }
.LBB2_5:
0x58: {  	s21 =	sadd.s32 $0x10, s21  }
0x59: {  	s23 =	sadd.s32 $0x800, s23;
	s25 =	sshll.u32 s21, $0x4  }
0x5a: {  	s26 =	sshll.u32 s21, $0x1;
	s28 =	sand.u32 $0x1800, s23;
	s25 =	sand.u32 $0x2000, s25  }
0x5b: {  	s26 =	sand.u32 $0x380, s26;
	s28 =	sor.u32 s28, s25  }
0x5c: {  	s31 =	sor.u32 s26, s28  }
0x5d: {  	v49 =	vld [tilespmem:s31+$0x470];
	_ =	sdelay $0x4  }
0x5e: {  	vm9 =	vne.s32 v8, $0x0;
	v8 =	vand.u32 $0x7FFFFFFF, v49  }
0x5f: {  	vm7 =	vne.s32 v10, $0x0;
	vm3 =	vne.s32 v14, $0x0;
	v14 =	vld [tilespmem:s31+$0x420];
	v10 =	vsub.s32 v8, v2  }
0x60: {  	v31 =	vor.u32 $0x8000, v31;
	vm13 =	vne.s32 v4, $0x0;
	v10 =	vshra.s32 v10, $0xC  }
0x61: {  	v36 =	vnsel vm0, $0x0, v24;
	vm0 =	vne.s32 v17, $0x0;
	vm15 =	vgt.s32 v10, $0x0  }
0x62: {  	v17 =	vimm.s32 $0x0;
	v4 =	vimm.s32 $0x0;
	v10 =	vnsel vm15, $0x0, v10  }
0x63: {  	v17 =	vsel vm0, $0xFFFFFFFF, v17;
	vm0 =	vne.s32 v16, $0x0;
	v10 =	vmin.u32 v10, $0x3FFF  }
0x64: {  	v4 =	vsel vm0, $0xFFFFFFFF, v4;
	v52 =	vor.u32 $0xC000, v10;
	v10 =	vand.u32 $0x7FFFFFFF, v14  }
0x65: {  	vm11 =	vne.s32 v6, $0x0;
	[tilespmem:$0x1FFE0] =	vst v4;
	v4 =	vld [tilespmem:s31+$0x20];
	v43 =	vsub.s32 v10, v2  }
0x66: {  	v6 =	vimm.s32 $0x0;
	vm0 =	vne.s32 v15, $0x0;
	[tilespmem:v31+s14+$0x0] =	vst.idx.add.f32.msk vm13, v1;
	v31 =	vshra.s32 v43, $0xC  }
0x67: {  	[tilespmem:$0x1FFD0] =	vst v17;
	v6 =	vsel vm0, $0xFFFFFFFF, v6;
	vm0 =	vgt.s32 v31, $0x0  }
0x68: {  	v62 =	vnsel vm0, $0x0, v31;
	v31 =	vld [tilespmem:$0x1FFD0]  }
0x69: {  	v33 =	vnsel vm6, $0x0, v28;
	v34 =	vnsel vm5, $0x0, v27;
	v35 =	vnsel vm4, $0x0, v26  }
0x6a: {  	v32 =	vor.u32 $0x4000, v32;
	v30 =	vor.u32 $0xC000, v30;
	vm14 =	vne.s32 v3, $0x0;
	v3 =	vld [tilespmem:s31+$0x10]  }
0x6b: {  	v29 =	vor.u32 $0x4000, v29;
	v27 =	vor.u32 $0x8000, v25;
	vm12 =	vne.s32 v5, $0x0;
	v5 =	vld [tilespmem:s31+$0x30]  }
0x6c: {  	v28 =	vor.u32 $0xC000, v23;
	v26 =	vor.u32 $0x4000, v22;
	v24 =	vor.u32 $0x8000, v21;
	[tilespmem:$0x1FFF0] =	vst v6;
	v6 =	vld [tilespmem:s31+$0x50]  }
0x6d: {  	s24 =	sand.u32 $0x6000, s22;
	v25 =	vor.u32 $0xC000, v20;
	vm10 =	vne.s32 v7, $0x0;
	v7 =	vld [tilespmem:s31+$0x60];
	vm0 =	vnez.u8 v31  }
0x6e: {  	v23 =	vor.u32 $0x4000, v19;
	vm8 =	vne.s32 v9, $0x0;
	s24 =	sshrl.u32 s24, $0x2;
	v21 =	vmin.u32 v33, $0x3FFF;
	v9 =	vld [tilespmem:s31+$0x70]  }
0x6f: {  	v22 =	vor.u32 $0x8000, v18;
	vm6 =	vne.s32 v11, $0x0;
	vm5 =	vne.s32 v12, $0x0;
	s24 =	sor.u32 s24, s25;
	v16 =	vld [tilespmem:s31+$0x430]  }
0x70: {  	vm4 =	vne.s32 v13, $0x0;
	v20 =	vmin.u32 v34, $0x3FFF;
	v18 =	vmin.u32 v35, $0x3FFF;
	s30 =	sor.u32 s26, s24;
	v51 =	vld [tilespmem:s31+$0x460]  }
0x71: {  	v19 =	vmin.u32 v36, $0x3FFF;
	v53 =	vld [tilespmem:s30+$0x0];
	v3 =	vand.u32 $0x7FFFFFFF, v3;
	v4 =	vand.u32 $0x7FFFFFFF, v4  }
0x72: {  	v40 =	vld [tilespmem:s31+$0x40];
	v5 =	vand.u32 $0x7FFFFFFF, v5;
	v6 =	vand.u32 $0x7FFFFFFF, v6;
	v11 =	vsub.s32 v3, v2  }
0x73: {  	v7 =	vand.u32 $0x7FFFFFFF, v7;
	v13 =	vsub.s32 v4, v2;
	v15 =	vsub.s32 v5, v2;
	[tilespmem:v21+s14+$0x0] =	vst.idx.add.f32.msk vm0, v1  }
0x74: {  	v50 =	vsub.s32 v6, v2;
	v37 =	vsub.s32 v7, v2;
	v39 =	vshra.s32 v11, $0xC;
	v21 =	vld [tilespmem:$0x1FFE0]  }
0x75: {  	v12 =	vld [tilespmem:s31+$0x410];
	v42 =	vshra.s32 v13, $0xC;
	v11 =	vand.u32 $0x7FFFFFFF, v16;
	v44 =	vshra.s32 v15, $0xC  }
0x76: {  	v17 =	vld [tilespmem:s31+$0x450];
	v33 =	vshra.s32 v50, $0xC;
	v13 =	vand.u32 $0x7FFFFFFF, v51;
	v54 =	vshra.s32 v37, $0xC  }
0x77: {  	[tilespmem:v30+s14+$0x0] =	vst.idx.add.f32.msk vm12, v1;
	v16 =	vand.u32 $0x7FFFFFFF, v40;
	v45 =	vsub.s32 v11, v2;
	v55 =	vsub.s32 v13, v2  }
0x78: {  	[tilespmem:v29+s14+$0x0] =	vst.idx.add.f32.msk vm11, v1;
	v59 =	vsub.s32 v16, v2;
	vm11 =	vgt.s32 v39, $0x0;
	vm12 =	vgt.s32 v42, $0x0  }
0x79: {  	[tilespmem:v27+s14+$0x0] =	vst.idx.add.f32.msk vm10, v1;
	vm10 =	vgt.s32 v44, $0x0;
	vm13 =	vgt.s32 v33, $0x0;
	vm0 =	vnez.u8 v21  }
0x7a: {  	[tilespmem:v32+s14+$0x0] =	vst.idx.add.f32.msk vm14, v1;
	vm14 =	vgt.s32 v54, $0x0;
	vm15 =	vne.s32 v8, $0x0;
	v8 =	vand.u32 $0x7FFFFFFF, v9  }
0x7b: {  	v46 =	vld [tilespmem:s31+$0x440];
	v9 =	vand.u32 $0x7FFFFFFF, v12;
	v12 =	vand.u32 $0x7FFFFFFF, v17;
	v17 =	vand.u32 $0x7FFFFFFF, v53  }
0x7c: {  	[tilespmem:v25+s14+$0x0] =	vst.idx.add.f32.msk vm6, v1;
	v58 =	vshra.s32 v45, $0xC;
	v35 =	vshra.s32 v55, $0xC;
	v27 =	vshra.s32 v59, $0xC  }
0x7d: {  	[tilespmem:v23+s14+$0x0] =	vst.idx.add.f32.msk vm5, v1;
	v25 =	vnsel vm11, $0x0, v39;
	v23 =	vnsel vm10, $0x0, v44;
	v33 =	vnsel vm13, $0x0, v33  }
0x7e: {  	[tilespmem:v26+s14+$0x0] =	vst.idx.add.f32.msk vm8, v1;
	v34 =	vnsel vm14, $0x0, v54;
	v38 =	vsub.s32 v8, v2;
	v41 =	vsub.s32 v9, v2  }
0x7f: {  	v47 =	vsub.s32 v12, v2;
	v29 =	vsub.s32 v17, v2;
	vm8 =	vgt.s32 v58, $0x0;
	[tilespmem:v20+s14+$0x0] =	vst.idx.add.f32.msk vm0, v1  }
0x80: {  	vm2 =	vgt.s32 v35, $0x0;
	vm5 =	vgt.s32 v27, $0x0;
	v32 =	vmin.u32 v25, $0x3FFF;
	v20 =	vld [tilespmem:$0x1FFF0]  }
0x81: {  	v25 =	vmin.u32 v34, $0x3FFF;
	v14 =	vld [tilespmem:s30+$0x400];
	v56 =	vshra.s32 v38, $0xC;
	v57 =	vshra.s32 v41, $0xC  }
0x82: {  	[tilespmem:v28+s14+$0x0] =	vst.idx.add.f32.msk vm9, v1;
	v30 =	vshra.s32 v47, $0xC;
	v28 =	vshra.s32 v29, $0xC;
	v29 =	vnsel vm12, $0x0, v42  }
0x83: {  	v37 =	vnsel vm8, $0x0, v58;
	v35 =	vnsel vm2, $0x0, v35;
	vm9 =	vgt.s32 v56, $0x0  }
0x84: {  	[tilespmem:v22+s14+$0x0] =	vst.idx.add.f32.msk vm4, v1;
	vm1 =	vgt.s32 v30, $0x0;
	vm6 =	vgt.s32 v28, $0x0;
	v22 =	vnsel vm9, $0x0, v56  }
0x85: {  	v63 =	vnsel vm1, $0x0, v30;
	v30 =	vmin.u32 v23, $0x3FFF;
	vm0 =	vnez.u8 v20  }
0x86: {  	p0 =	slt.u32 s21, $0x3F0;
	[tilespmem:v19+s14+$0x0] =	vst.idx.add.f32.msk vm3, v1;
	v23 =	vmin.u32 v22, $0x3FFF;
	v19 =	vmin.u32 v63, $0x3FFF;
	v15 =	vand.u32 $0x7FFFFFFF, v14  }
.Ltmp3:
0x87: {  	[tilespmem:v52+s14+$0x0] =	vst.idx.add.f32.msk vm15, v1;
	v14 =	vand.u32 $0x7FFFFFFF, v46;
	vm15 =	vgt.s32 v57, $0x0;
	v60 =	vsub.s32 v15, v2;
	(pc) =	sbr.rel @p0 .LBB2_5-.Ltmp3, $4  }
0x88: {  	v61 =	vsub.s32 v14, v2;
	v36 =	vnsel vm15, $0x0, v57;
	v26 =	vshra.s32 v60, $0xC  }
0x89: {  	[tilespmem:v24+s14+$0x0] =	vst.idx.add.f32.msk vm7, v1;
	v24 =	vshra.s32 v61, $0xC;
	v22 =	vmin.u32 v36, $0x3FFF;
	vm4 =	vgt.s32 v26, $0x0  }
0x8a: {  	v31 =	vmin.u32 v29, $0x3FFF;
	v29 =	vmin.u32 v33, $0x3FFF;
	v21 =	vmin.u32 v62, $0x3FFF  }
0x8b: {  	s22 =	sadd.s32 $0x2000, s22;
	v20 =	vmin.u32 v37, $0x3FFF;
	[tilespmem:v18+s14+$0x0] =	vst.idx.add.f32.msk vm0, v1;
	vm0 =	vgt.s32 v24, $0x0;
	v18 =	vmin.u32 v35, $0x3FFF  }
0x8c: {  	vm1 =	vne.s32 v3, $0x0  }
0x8d: {  	v3 =	vor.u32 $0x4000, v32;
	vm2 =	vne.s32 v4, $0x0  }
0x8e: {  	v4 =	vor.u32 $0x8000, v31;
	vm3 =	vne.s32 v5, $0x0  }
0x8f: {  	v5 =	vor.u32 $0xC000, v30;
	vm7 =	vne.s32 v6, $0x0  }
0x90: {  	v6 =	vor.u32 $0x4000, v29;
	vm8 =	vne.s32 v7, $0x0  }
0x91: {  	v7 =	vor.u32 $0x8000, v25;
	vm9 =	vne.s32 v8, $0x0  }
0x92: {  	v8 =	vor.u32 $0xC000, v23;
	vm10 =	vne.s32 v9, $0x0;
	[tilespmem:v3+s14+$0x0] =	vst.idx.add.f32.msk vm1, v1  }
0x93: {  	v3 =	vor.u32 $0x4000, v22;
	vm1 =	vne.s32 v10, $0x0;
	[tilespmem:v4+s14+$0x0] =	vst.idx.add.f32.msk vm2, v1  }
0x94: {  	v4 =	vor.u32 $0x8000, v21;
	vm2 =	vne.s32 v11, $0x0;
	[tilespmem:v5+s14+$0x0] =	vst.idx.add.f32.msk vm3, v1  }
0x95: {  	v5 =	vor.u32 $0xC000, v20;
	vm3 =	vne.s32 v12, $0x0;
	[tilespmem:v6+s14+$0x0] =	vst.idx.add.f32.msk vm7, v1  }
0x96: {  	v6 =	vor.u32 $0x4000, v19;
	vm7 =	vne.s32 v13, $0x0;
	[tilespmem:v7+s14+$0x0] =	vst.idx.add.f32.msk vm8, v1  }
0x97: {  	v9 =	vor.u32 $0x8000, v18;
	v7 =	vnsel vm6, $0x0, v28;
	vm6 =	vne.s32 v17, $0x0;
	[tilespmem:v8+s14+$0x0] =	vst.idx.add.f32.msk vm9, v1  }
0x98: {  	v8 =	vnsel vm5, $0x0, v27;
	vm5 =	vne.s32 v16, $0x0;
	v7 =	vmin.u32 v7, $0x3FFF;
	[tilespmem:v3+s14+$0x0] =	vst.idx.add.f32.msk vm10, v1  }
0x99: {  	v8 =	vmin.u32 v8, $0x3FFF;
	v3 =	vnsel vm4, $0x0, v26;
	vm4 =	vne.s32 v15, $0x0;
	[tilespmem:v4+s14+$0x0] =	vst.idx.add.f32.msk vm1, v1  }
0x9a: {  	v4 =	vnsel vm0, $0x0, v24;
	v3 =	vmin.u32 v3, $0x3FFF;
	vm0 =	vne.s32 v14, $0x0;
	[tilespmem:v5+s14+$0x0] =	vst.idx.add.f32.msk vm2, v1  }
0x9b: {  	[tilespmem:v6+s14+$0x0] =	vst.idx.add.f32.msk vm3, v1;
	v4 =	vmin.u32 v4, $0x3FFF  }
0x9c: {  	[tilespmem:v9+s14+$0x0] =	vst.idx.add.f32.msk vm7, v1  }
0x9d: {  	[tilespmem:v7+s14+$0x0] =	vst.idx.add.f32.msk vm6, v1  }
0x9e: {  	[tilespmem:v8+s14+$0x0] =	vst.idx.add.f32.msk vm5, v1  }
0x9f: {  	s21 =	sshll.u32 s20, $0xC;
	p0 =	seq.s32 s20, $0x3;
	[tilespmem:v3+s14+$0x0] =	vst.idx.add.f32.msk vm4, v1  }
0xa0: {  	s31 =	simm.s32 $0x0;
	s22 =	sadd.s32 @!p0 s21, s6;
	s23 =	simm.s32 @!p0 $0x0;
	[tilespmem:v4+s14+$0x0] =	vst.idx.add.f32.msk vm0, v1  }
0xa1: {  	[tilespmem:s23], [sflag:$0x1] =	stream.linear.gather @!p0 [hbm4b:s22+s23], $0x4000, $0x38;
	[tilespmem:$0x18080] =	vst v63  }
0xa2: {  	s24 =	simm.s32 $0x0;
	s22 =	simm.s32 $0x0;
	s23 =	sand.u32 $0x2000, s31  }
0xa3: {  	_ =	swait.ge [sflag:s15], $0x4000;
	s23 =	sor.u32 $0x4000, s23;
	s25 =	sand.u32 $0x1800, s22  }
0xa4: {  	s24 =	sand.u32 $0x380, s24;
	[sflag:s15] =	ssyncset.done $0x0;
	s25 =	sor.u32 s25, s23  }
0xa5: {  	[sflag:s15] =	ssyncadd.s32 $0xFFFFC000;
	s25 =	sor.u32 s24, s25  }
0xa6: {  	v3 =	vld [tilespmem:s25+$0x470]  }
0xa7: {  	v4 =	vld [tilespmem:s25+$0x10]  }
0xa8: {  	v5 =	vld [tilespmem:s25+$0x20]  }
0xa9: {  	v6 =	vld [tilespmem:s25+$0x30]  }
0xaa: {  	v7 =	vld [tilespmem:s25+$0x50]  }
0xab: {  	v8 =	vld [tilespmem:s25+$0x60]  }
0xac: {  	v10 =	vld [tilespmem:s25+$0x70]  }
0xad: {  	v15 =	vld [tilespmem:s25+$0x420];
	_ =	sdelay $0x2  }
0xae: {  	v13 =	vld [tilespmem:s25+$0x410];
	v9 =	vand.u32 $0x7FFFFFFF, v3;
	v3 =	vand.u32 $0x7FFFFFFF, v4;
	v4 =	vand.u32 $0x7FFFFFFF, v5  }
0xaf: {  	v20 =	vld [tilespmem:s25+$0x460];
	v5 =	vand.u32 $0x7FFFFFFF, v6;
	v6 =	vand.u32 $0x7FFFFFFF, v7;
	v7 =	vand.u32 $0x7FFFFFFF, v8  }
0xb0: {  	v8 =	vand.u32 $0x7FFFFFFF, v10;
	v10 =	vand.u32 $0x7FFFFFFF, v15;
	v11 =	vsub.s32 v9, v2  }
0xb1: {  	v18 =	vld [tilespmem:s25+$0x450];
	v12 =	vsub.s32 v3, v2;
	v14 =	vsub.s32 v4, v2;
	v16 =	vsub.s32 v5, v2  }
0xb2: {  	v25 =	vld [tilespmem:s25+$0x40];
	vm1 =	vne.s32 v9, $0x0;
	v19 =	vsub.s32 v6, v2;
	v22 =	vsub.s32 v7, v2  }
0xb3: {  	v23 =	vsub.s32 v8, v2;
	v9 =	vand.u32 $0x7FFFFFFF, v13;
	v28 =	vsub.s32 v10, v2  }
0xb4: {  	v13 =	vand.u32 $0x7FFFFFFF, v20;
	v11 =	vshra.s32 v11, $0xC;
	v24 =	vshra.s32 v12, $0xC  }
0xb5: {  	v26 =	vsub.s32 v9, v2;
	v27 =	vshra.s32 v14, $0xC;
	v29 =	vshra.s32 v16, $0xC  }
0xb6: {  	v12 =	vand.u32 $0x7FFFFFFF, v18;
	v18 =	vshra.s32 v19, $0xC;
	v20 =	vshra.s32 v22, $0xC  }
0xb7: {  	v16 =	vand.u32 $0x7FFFFFFF, v25;
	v22 =	vshra.s32 v23, $0xC;
	v25 =	vshra.s32 v28, $0xC  }
0xb8: {  	s26 =	sand.u32 $0x6000, s22;
	vm0 =	vgt.s32 v11, $0x0;
	v19 =	vsub.s32 v12, v2;
	v23 =	vshra.s32 v26, $0xC  }
0xb9: {  	s26 =	sshrl.u32 s26, $0x2;
	vm2 =	vgt.s32 v27, $0x0;
	vm3 =	vgt.s32 v29, $0x0;
	vm4 =	vgt.s32 v18, $0x0  }
0xba: {  	s23 =	sor.u32 s26, s23;
	vm5 =	vgt.s32 v20, $0x0;
	vm6 =	vgt.s32 v22, $0x0;
	vm8 =	vgt.s32 v25, $0x0  }
0xbb: {  	v17 =	vld [tilespmem:s25+$0x430];
	s23 =	sor.u32 s24, s23;
	v11 =	vnsel vm0, $0x0, v11;
	v19 =	vshra.s32 v19, $0xC;
	vm0 =	vgt.s32 v24, $0x0  }
0xbc: {  	v21 =	vld [tilespmem:s23+$0x0];
	vm7 =	vgt.s32 v23, $0x0;
	v36 =	vnsel vm2, $0x0, v27;
	v29 =	vnsel vm3, $0x0, v29  }
0xbd: {  	v31 =	vld [tilespmem:s25+$0x440];
	v18 =	vnsel vm4, $0x0, v18;
	v20 =	vnsel vm5, $0x0, v20;
	v22 =	vnsel vm6, $0x0, v22  }
0xbe: {  	v14 =	vld [tilespmem:s23+$0x400];
	v37 =	vnsel vm8, $0x0, v25;
	v11 =	vmin.u32 v11, $0x3FFF;
	v35 =	vnsel vm0, $0x0, v24  }
0xbf: {  	vm0 =	vgt.s32 v19, $0x0;
	v63 =	vnsel vm7, $0x0, v23;
	v25 =	vmin.u32 v20, $0x3FFF  }
0xc0: {  	v23 =	vmin.u32 v22, $0x3FFF;
	v33 =	vor.u32 $0xC000, v11;
	v11 =	vand.u32 $0x7FFFFFFF, v17  }
0xc1: {  	v17 =	vand.u32 $0x7FFFFFFF, v21;
	v21 =	vsub.s32 v13, v2;
	v19 =	vnsel vm0, $0x0, v19  }
0xc2: {  	v32 =	vmin.u32 v35, $0x3FFF;
	v22 =	vmin.u32 v63, $0x3FFF;
	v30 =	vsub.s32 v11, v2  }
0xc3: {  	v15 =	vand.u32 $0x7FFFFFFF, v14;
	v14 =	vand.u32 $0x7FFFFFFF, v31;
	v21 =	vshra.s32 v21, $0xC  }
0xc4: {  	v26 =	vsub.s32 v17, v2;
	v31 =	vsub.s32 v16, v2;
	v19 =	vmin.u32 v19, $0x3FFF  }
0xc5: {  	v30 =	vshra.s32 v30, $0xC;
	v62 =	vsub.s32 v15, v2;
	v34 =	vsub.s32 v14, v2  }
0xc6: {  	vm2 =	vgt.s32 v21, $0x0;
	v28 =	vshra.s32 v26, $0xC;
	v27 =	vshra.s32 v31, $0xC  }
0xc7: {  	v31 =	vmin.u32 v36, $0x3FFF;
	vm15 =	vgt.s32 v30, $0x0;
	v26 =	vshra.s32 v62, $0xC  }
0xc8: {  	v24 =	vshra.s32 v34, $0xC;
	v39 =	vnsel vm2, $0x0, v21;
	vm6 =	vgt.s32 v28, $0x0  }
0xc9: {  	vm5 =	vgt.s32 v27, $0x0;
	v21 =	vmin.u32 v37, $0x3FFF;
	v38 =	vnsel vm15, $0x0, v30  }
0xca: {  	vm4 =	vgt.s32 v26, $0x0;
	vm0 =	vgt.s32 v24, $0x0;
	v30 =	vmin.u32 v29, $0x3FFF  }
0xcb: {  	s24 =	simm.s32 $0x0;
	s23 =	simm.s32 $0x0;
	v29 =	vmin.u32 v18, $0x3FFF;
	v18 =	vmin.u32 v39, $0x3FFF;
	[tilespmem:v33+s14+$0x0] =	vst.idx.add.f32.msk vm1, v1;
	v20 =	vmin.u32 v38, $0x3FFF  }
.LBB2_7:
0xcc: {  	s23 =	sadd.s32 $0x10, s23  }
0xcd: {  	s22 =	sadd.s32 $0x2000, s22;
	s24 =	sadd.s32 $0x800, s24;
	s25 =	sshll.u32 s23, $0x4  }
0xce: {  	s26 =	sand.u32 $0x6000, s22;
	s28 =	sshll.u32 s23, $0x1;
	s25 =	sand.u32 $0x2000, s25  }
0xcf: {  	s29 =	sand.u32 $0x1800, s24;
	s26 =	sshrl.u32 s26, $0x2;
	s25 =	sor.u32 $0x4000, s25  }
0xd0: {  	s28 =	sand.u32 $0x380, s28;
	s26 =	sor.u32 s26, s25;
	s25 =	sor.u32 s29, s25  }
0xd1: {  	s25 =	sor.u32 s28, s25  }
0xd2: {  	v49 =	vld [tilespmem:s25+$0x470];
	_ =	sdelay $0x4  }
0xd3: {  	vm9 =	vne.s32 v8, $0x0;
	v8 =	vand.u32 $0x7FFFFFFF, v49  }
0xd4: {  	vm7 =	vne.s32 v10, $0x0;
	vm3 =	vne.s32 v14, $0x0;
	v14 =	vld [tilespmem:s25+$0x420];
	v10 =	vsub.s32 v8, v2  }
0xd5: {  	v31 =	vor.u32 $0x8000, v31;
	vm13 =	vne.s32 v4, $0x0;
	v10 =	vshra.s32 v10, $0xC  }
0xd6: {  	v36 =	vnsel vm0, $0x0, v24;
	vm0 =	vne.s32 v17, $0x0;
	vm15 =	vgt.s32 v10, $0x0  }
0xd7: {  	v17 =	vimm.s32 $0x0;
	v4 =	vimm.s32 $0x0;
	v10 =	vnsel vm15, $0x0, v10  }
0xd8: {  	v17 =	vsel vm0, $0xFFFFFFFF, v17;
	vm0 =	vne.s32 v16, $0x0;
	v10 =	vmin.u32 v10, $0x3FFF  }
0xd9: {  	v4 =	vsel vm0, $0xFFFFFFFF, v4;
	v52 =	vor.u32 $0xC000, v10;
	v10 =	vand.u32 $0x7FFFFFFF, v14  }
0xda: {  	vm11 =	vne.s32 v6, $0x0;
	[tilespmem:$0x1FFB0] =	vst v4;
	v4 =	vld [tilespmem:s25+$0x20];
	v43 =	vsub.s32 v10, v2  }
0xdb: {  	v6 =	vimm.s32 $0x0;
	vm0 =	vne.s32 v15, $0x0;
	[tilespmem:v31+s14+$0x0] =	vst.idx.add.f32.msk vm13, v1;
	v31 =	vshra.s32 v43, $0xC  }
0xdc: {  	[tilespmem:$0x1FFA0] =	vst v17;
	v6 =	vsel vm0, $0xFFFFFFFF, v6;
	vm0 =	vgt.s32 v31, $0x0  }
0xdd: {  	v62 =	vnsel vm0, $0x0, v31;
	v31 =	vld [tilespmem:$0x1FFA0]  }
0xde: {  	v33 =	vnsel vm6, $0x0, v28;
	v34 =	vnsel vm5, $0x0, v27;
	v35 =	vnsel vm4, $0x0, v26  }
0xdf: {  	v32 =	vor.u32 $0x4000, v32;
	v30 =	vor.u32 $0xC000, v30;
	vm14 =	vne.s32 v3, $0x0;
	v3 =	vld [tilespmem:s25+$0x10]  }
0xe0: {  	v29 =	vor.u32 $0x4000, v29;
	v27 =	vor.u32 $0x8000, v25;
	vm12 =	vne.s32 v5, $0x0;
	v5 =	vld [tilespmem:s25+$0x30]  }
0xe1: {  	v28 =	vor.u32 $0xC000, v23;
	v26 =	vor.u32 $0x4000, v22;
	v24 =	vor.u32 $0x8000, v21;
	[tilespmem:$0x1FFC0] =	vst v6;
	v6 =	vld [tilespmem:s25+$0x50]  }
0xe2: {  	v25 =	vor.u32 $0xC000, v20;
	vm10 =	vne.s32 v7, $0x0;
	v7 =	vld [tilespmem:s25+$0x60];
	vm0 =	vnez.u8 v31  }
0xe3: {  	v23 =	vor.u32 $0x4000, v19;
	vm8 =	vne.s32 v9, $0x0;
	v21 =	vmin.u32 v33, $0x3FFF;
	v9 =	vld [tilespmem:s25+$0x70]  }
0xe4: {  	v22 =	vor.u32 $0x8000, v18;
	vm6 =	vne.s32 v11, $0x0;
	vm5 =	vne.s32 v12, $0x0;
	v16 =	vld [tilespmem:s25+$0x430]  }
0xe5: {  	vm4 =	vne.s32 v13, $0x0;
	v20 =	vmin.u32 v34, $0x3FFF;
	v18 =	vmin.u32 v35, $0x3FFF;
	s26 =	sor.u32 s28, s26;
	v51 =	vld [tilespmem:s25+$0x460]  }
0xe6: {  	v19 =	vmin.u32 v36, $0x3FFF;
	v53 =	vld [tilespmem:s26+$0x0];
	v3 =	vand.u32 $0x7FFFFFFF, v3;
	v4 =	vand.u32 $0x7FFFFFFF, v4  }
0xe7: {  	v40 =	vld [tilespmem:s25+$0x40];
	v5 =	vand.u32 $0x7FFFFFFF, v5;
	v6 =	vand.u32 $0x7FFFFFFF, v6;
	v11 =	vsub.s32 v3, v2  }
0xe8: {  	v7 =	vand.u32 $0x7FFFFFFF, v7;
	v13 =	vsub.s32 v4, v2;
	v15 =	vsub.s32 v5, v2;
	[tilespmem:v21+s14+$0x0] =	vst.idx.add.f32.msk vm0, v1  }
0xe9: {  	v50 =	vsub.s32 v6, v2;
	v37 =	vsub.s32 v7, v2;
	v39 =	vshra.s32 v11, $0xC;
	v21 =	vld [tilespmem:$0x1FFB0]  }
0xea: {  	v12 =	vld [tilespmem:s25+$0x410];
	v42 =	vshra.s32 v13, $0xC;
	v11 =	vand.u32 $0x7FFFFFFF, v16;
	v44 =	vshra.s32 v15, $0xC  }
0xeb: {  	v17 =	vld [tilespmem:s25+$0x450];
	v33 =	vshra.s32 v50, $0xC;
	v13 =	vand.u32 $0x7FFFFFFF, v51;
	v54 =	vshra.s32 v37, $0xC  }
0xec: {  	[tilespmem:v30+s14+$0x0] =	vst.idx.add.f32.msk vm12, v1;
	v16 =	vand.u32 $0x7FFFFFFF, v40;
	v45 =	vsub.s32 v11, v2;
	v55 =	vsub.s32 v13, v2  }
0xed: {  	[tilespmem:v29+s14+$0x0] =	vst.idx.add.f32.msk vm11, v1;
	v59 =	vsub.s32 v16, v2;
	vm11 =	vgt.s32 v39, $0x0;
	vm12 =	vgt.s32 v42, $0x0  }
0xee: {  	[tilespmem:v27+s14+$0x0] =	vst.idx.add.f32.msk vm10, v1;
	vm10 =	vgt.s32 v44, $0x0;
	vm13 =	vgt.s32 v33, $0x0;
	vm0 =	vnez.u8 v21  }
0xef: {  	[tilespmem:v32+s14+$0x0] =	vst.idx.add.f32.msk vm14, v1;
	vm14 =	vgt.s32 v54, $0x0;
	vm15 =	vne.s32 v8, $0x0;
	v8 =	vand.u32 $0x7FFFFFFF, v9  }
0xf0: {  	v46 =	vld [tilespmem:s25+$0x440];
	v9 =	vand.u32 $0x7FFFFFFF, v12;
	v12 =	vand.u32 $0x7FFFFFFF, v17;
	v17 =	vand.u32 $0x7FFFFFFF, v53  }
0xf1: {  	[tilespmem:v25+s14+$0x0] =	vst.idx.add.f32.msk vm6, v1;
	v58 =	vshra.s32 v45, $0xC;
	v35 =	vshra.s32 v55, $0xC;
	v27 =	vshra.s32 v59, $0xC  }
0xf2: {  	[tilespmem:v23+s14+$0x0] =	vst.idx.add.f32.msk vm5, v1;
	v25 =	vnsel vm11, $0x0, v39;
	v23 =	vnsel vm10, $0x0, v44;
	v33 =	vnsel vm13, $0x0, v33  }
0xf3: {  	[tilespmem:v26+s14+$0x0] =	vst.idx.add.f32.msk vm8, v1;
	v34 =	vnsel vm14, $0x0, v54;
	v38 =	vsub.s32 v8, v2;
	v41 =	vsub.s32 v9, v2  }
0xf4: {  	v47 =	vsub.s32 v12, v2;
	v29 =	vsub.s32 v17, v2;
	vm8 =	vgt.s32 v58, $0x0;
	[tilespmem:v20+s14+$0x0] =	vst.idx.add.f32.msk vm0, v1  }
0xf5: {  	vm2 =	vgt.s32 v35, $0x0;
	vm5 =	vgt.s32 v27, $0x0;
	v32 =	vmin.u32 v25, $0x3FFF;
	v20 =	vld [tilespmem:$0x1FFC0]  }
0xf6: {  	v25 =	vmin.u32 v34, $0x3FFF;
	v14 =	vld [tilespmem:s26+$0x400];
	v56 =	vshra.s32 v38, $0xC;
	v57 =	vshra.s32 v41, $0xC  }
0xf7: {  	[tilespmem:v28+s14+$0x0] =	vst.idx.add.f32.msk vm9, v1;
	v30 =	vshra.s32 v47, $0xC;
	v28 =	vshra.s32 v29, $0xC;
	v29 =	vnsel vm12, $0x0, v42  }
0xf8: {  	v37 =	vnsel vm8, $0x0, v58;
	v35 =	vnsel vm2, $0x0, v35;
	vm9 =	vgt.s32 v56, $0x0  }
0xf9: {  	[tilespmem:v22+s14+$0x0] =	vst.idx.add.f32.msk vm4, v1;
	vm1 =	vgt.s32 v30, $0x0;
	vm6 =	vgt.s32 v28, $0x0;
	v22 =	vnsel vm9, $0x0, v56  }
0xfa: {  	v63 =	vnsel vm1, $0x0, v30;
	v30 =	vmin.u32 v23, $0x3FFF;
	vm0 =	vnez.u8 v20  }
0xfb: {  	p1 =	slt.u32 s23, $0x3F0;
	[tilespmem:v19+s14+$0x0] =	vst.idx.add.f32.msk vm3, v1;
	v23 =	vmin.u32 v22, $0x3FFF;
	v19 =	vmin.u32 v63, $0x3FFF;
	v15 =	vand.u32 $0x7FFFFFFF, v14  }
.Ltmp4:
0xfc: {  	[tilespmem:v52+s14+$0x0] =	vst.idx.add.f32.msk vm15, v1;
	v14 =	vand.u32 $0x7FFFFFFF, v46;
	vm15 =	vgt.s32 v57, $0x0;
	v60 =	vsub.s32 v15, v2;
	(pc) =	sbr.rel @p1 .LBB2_7-.Ltmp4, $4  }
0xfd: {  	v61 =	vsub.s32 v14, v2;
	v36 =	vnsel vm15, $0x0, v57;
	v26 =	vshra.s32 v60, $0xC  }
0xfe: {  	[tilespmem:v24+s14+$0x0] =	vst.idx.add.f32.msk vm7, v1;
	v24 =	vshra.s32 v61, $0xC;
	v22 =	vmin.u32 v36, $0x3FFF;
	vm4 =	vgt.s32 v26, $0x0  }
0xff: {  	v31 =	vmin.u32 v29, $0x3FFF;
	v29 =	vmin.u32 v33, $0x3FFF;
	v21 =	vmin.u32 v62, $0x3FFF  }
0x100: {  	v20 =	vmin.u32 v37, $0x3FFF;
	[tilespmem:v18+s14+$0x0] =	vst.idx.add.f32.msk vm0, v1;
	vm0 =	vgt.s32 v24, $0x0;
	v18 =	vmin.u32 v35, $0x3FFF  }
0x101: {  	vm1 =	vne.s32 v3, $0x0  }
0x102: {  	v3 =	vor.u32 $0x4000, v32;
	vm2 =	vne.s32 v4, $0x0  }
0x103: {  	v52 =	vor.u32 $0x8000, v31;
	vm3 =	vne.s32 v5, $0x0  }
0x104: {  	v53 =	vor.u32 $0xC000, v30;
	vm7 =	vne.s32 v6, $0x0  }
0x105: {  	v54 =	vor.u32 $0x4000, v29;
	vm8 =	vne.s32 v7, $0x0  }
0x106: {  	v55 =	vor.u32 $0x8000, v25;
	vm9 =	vne.s32 v8, $0x0  }
0x107: {  	v56 =	vor.u32 $0xC000, v23;
	vm15 =	vne.s32 v10, $0x0;
	[tilespmem:v3+s14+$0x0] =	vst.idx.add.f32.msk vm1, v1  }
0x108: {  	v57 =	vor.u32 $0x8000, v21;
	vm11 =	vne.s32 v13, $0x0;
	[tilespmem:v52+s14+$0x0] =	vst.idx.add.f32.msk vm2, v1  }
0x109: {  	vm10 =	vne.s32 v9, $0x0;
	v61 =	vor.u32 $0x8000, v18;
	[tilespmem:v53+s14+$0x0] =	vst.idx.add.f32.msk vm3, v1  }
0x10a: {  	v60 =	vnsel vm6, $0x0, v28;
	vm12 =	vne.s32 v17, $0x0;
	v3 =	vor.u32 $0x4000, v22;
	[tilespmem:v54+s14+$0x0] =	vst.idx.add.f32.msk vm7, v1  }
0x10b: {  	v62 =	vnsel vm5, $0x0, v27;
	vm13 =	vne.s32 v16, $0x0;
	v7 =	vmin.u32 v60, $0x3FFF;
	[tilespmem:v55+s14+$0x0] =	vst.idx.add.f32.msk vm8, v1  }
0x10c: {  	v8 =	vmin.u32 v62, $0x3FFF;
	vm2 =	vne.s32 v11, $0x0;
	[tilespmem:v56+s14+$0x0] =	vst.idx.add.f32.msk vm9, v1  }
0x10d: {  	v58 =	vor.u32 $0xC000, v20;
	vm3 =	vne.s32 v12, $0x0;
	[tilespmem:v57+s14+$0x0] =	vst.idx.add.f32.msk vm15, v1  }
0x10e: {  	v59 =	vor.u32 $0x4000, v19;
	v63 =	vnsel vm0, $0x0, v24;
	vm15 =	vne.s32 v14, $0x0;
	[tilespmem:v61+s14+$0x0] =	vst.idx.add.f32.msk vm11, v1  }
0x10f: {  	vm14 =	vne.s32 v15, $0x0;
	v4 =	vmin.u32 v63, $0x3FFF;
	[tilespmem:v3+s14+$0x0] =	vst.idx.add.f32.msk vm10, v1;
	v3 =	vnsel vm4, $0x0, v26  }
0x110: {  	[tilespmem:v7+s14+$0x0] =	vst.idx.add.f32.msk vm12, v1;
	v3 =	vmin.u32 v3, $0x3FFF  }
.Ltmp5:
0x111: {  	[tilespmem:v8+s14+$0x0] =	vst.idx.add.f32.msk vm13, v1;
	(pc) =	sbr.rel @p0 .LBB2_10-.Ltmp5, $4  }
0x112: {  	[tilespmem:v58+s14+$0x0] =	vst.idx.add.f32.msk vm2, v1  }
0x113: {  	[tilespmem:v59+s14+$0x0] =	vst.idx.add.f32.msk vm3, v1  }
0x114: {  	[tilespmem:v4+s14+$0x0] =	vst.idx.add.f32.msk vm15, v1  }
0x115: {  	[tilespmem:v3+s14+$0x0] =	vst.idx.add.f32.msk vm14, v1  }
.Ltmp6:
0x116: {  	(pc) =	sbr.rel .LBB2_4-.Ltmp6, $3  }
0x117: {  	_ =	sdelay $0x1  }
0x118: {  	s21 =	sadd.s32 s21, s7;
	s20 =	sadd.s32 $0x1, s20  }
0x119: {  	[tilespmem:s12], [sflag:$0x2] =	stream.linear.gather [hbm4b:s21+s2], $0x4000, $0x38;
	[tilespmem:$0x18080] =	vst v63  }
.LBB2_11:
0x11a: {  	_ =	sfence.sel $0x180000  }
0x11b: {  	[bflag:$0x0] =	sbarrier.arrive $0xFFFF  }
0x11c: {  	p0 =	sne.s32 s1, $0x0;
	_ =	strace $0x90000047  }
0x11d: {  	s0 =	sadd.s32 @!p0 $0x100000, s0;
	[bflag:$0x2] =	sbarrier.arrive $0xFFFF  }
0x11e: {  	[sflag:s0] =	ssyncadd.tile.s32 @!p0 $0x1;
	_ =	shalt  }
.Lfunc_end2:
_tile_overlayer_lowered:
.L_overlay_start_2:
0x11f: {  	(tag) =	ssettag $0x2  }
0x120: {  	s0 =	rddreg [dreg:$0x0];
	s2 =	stileid.u32  }
0x121: {  	s1 =	rddreg [dreg:$0x1];
	p0 =	sne.s32 s2, $0x0  }
0x122: {  	s3 =	rddreg [dreg:$0x2];
	[bflag:$0x3] =	sbarrier.arrive $0xFFFF;
	s2 =	simm.s32 @!p0 $0x1C03  }
0x123: {  	[timem:s3], [sflag:s2] =	dma.local @!p0 [hbm:s0], s1  }
0x124: {  	s0 =	simm.s32 @!p0 $0x3  }
0x125: {  	_ =	swait.ge @!p0 [sflag:s0], s1  }
0x126: {  	s1 =	ssub.s32 @!p0 $0x0, s1;
	[sflag:s0] =	ssyncset.done @!p0 $0x0  }
0x127: {  	[sflag:s0] =	ssyncadd.s32 @!p0 s1  }
0x128: {  	[bflag:$0x3] =	sbarrier.arrive $0xFFFF  }
0x129: {  	_ =	shalt  }

</sc_bundles>
